<compile_context>
chip_gen: v7x
topology: tpu7x:2x2x1
jax: 0.10.2.dev20260603
libtpu: 0.0.44.dev20260713+nightly
codegen_flags: <defaults>
</compile_context>

<pallas_src>
import functools

import jax
import jax.numpy as jnp
from jax import lax
from jax.experimental import pallas as pl
from jax.experimental.pallas import tpu as pltpu
from jax.experimental.pallas import tpu_sc as plsc

D = 128
NS = 16
L = 16
R_PER_W = (D * D) // NS
QN = D // NS


_sc_call = functools.partial(
    pl.kernel,
    out_type=jax.ShapeDtypeStruct((1,), jnp.float32),
    mesh=plsc.VectorSubcoreMesh(
        core_axis_name="c", subcore_axis_name="s", num_cores=1, num_subcores=NS
    ),
    compiler_params=pltpu.CompilerParams(
        needs_layout_passes=False, use_tc_tiling_on_sc=True
    ),
    scratch_types=[
        pltpu.VMEM((L,), jnp.int32),
        pltpu.VMEM((2,), jnp.int32),
        pltpu.VMEM((2, D), jnp.float32),
        pltpu.VMEM((R_PER_W,), jnp.float32),
        pltpu.VMEM((L,), jnp.float32),
        pltpu.VMEM((L,), jnp.float32),
        pltpu.VMEM_SHARED((NS, 128), jnp.float32),
        pltpu.VMEM((NS, 128), jnp.float32),
        pltpu.SemaphoreType.DMA,
        pltpu.SemaphoreType.DMA,
    ],
)


def _holo_body(x_hbm, e_hbm, r_hbm, out_hbm,
               xv, ei2, ebuf, rbuf, accv, outv, shared, sbuf, esem, rsem):
    t = lax.axis_index("s")

    i16 = lax.iota(jnp.int32, L)
    z16 = jnp.zeros((L,), jnp.int32)

    pltpu.sync_copy(x_hbm, xv.at[pl.ds(0, 3)])
    pv = plsc.load_gather(xv, [z16 + 2])
    p_sc = lax.reduce_max(pv, (0,))

    eidx = plsc.load_gather(xv, [(i16 != 1).astype(jnp.int32)])
    plsc.store_scatter(ei2, [i16], eidx, mask=i16 < 2)
    ecopy = pltpu.async_copy(e_hbm.at[ei2], ebuf, esem)
    rcopy = pltpu.async_copy(
        r_hbm.at[p_sc, pl.ds(t * R_PER_W, R_PER_W)], rbuf, rsem
    )
    ecopy.wait()
    rcopy.wait()

    one16 = z16 + 1
    acc = jnp.zeros((L,), jnp.float32)
    for q in range(QN):
        i_sc = t * QN + q
        s_i = plsc.load_gather(ebuf, [one16, jnp.broadcast_to(i_sc, (L,))])
        part = jnp.zeros((L,), jnp.float32)
        for u in range(4):
            tt = q * 4 + u
            o_lo = ebuf[0, pl.ds(u * 32, L)]
            o_hi = ebuf[0, pl.ds(u * 32 + L, L)]
            part = (part + rbuf[pl.ds(tt * 32, L)] * o_lo
                    + rbuf[pl.ds(tt * 32 + L, L)] * o_hi)
        acc = acc + s_i * part

    accv[...] = acc
    pltpu.sync_copy(accv, shared.at[t, pl.ds(0, L)])
    plsc.subcore_barrier()

    @pl.when(t == 0)
    def _():
        pltpu.sync_copy(shared, sbuf)
        tot = sbuf[0, pl.ds(0, L)]
        for rr in range(1, NS):
            tot = tot + sbuf[rr, pl.ds(0, L)]
        eta = jnp.sum(tot)
        outv[...] = jnp.broadcast_to(eta, (L,))
        pltpu.sync_copy(outv.at[pl.ds(0, 1)], out_hbm)


_holo_sc = _sc_call(_holo_body)


def kernel(x, E_table, R_table):
    trip = x[0].astype(jnp.int32)
    return _holo_sc(trip, E_table, R_table).reshape(())

# --- scband reference (transcript-rebuilt; emitter-appended) ---
"""Pipeline reference for scband-holographic-layer-test-41455024341725 (READ-ONLY COPY).

The authoritative reference and input builder live on the scoring server;
editing this copy changes nothing except your own understanding.
"""

import jax, jax.numpy as jnp
import numpy as np
import math

E_NUM = 100000
R_NUM = 1000
D = 128

def setup_inputs(seed: int = 0) -> dict:
    key = jax.random.key(seed)
    k1, k2, k3 = jax.random.split(key, 3)
    x = jax.random.randint(k1, (1024, 3), 0, 1000).astype(jnp.int64)
    bnd = math.sqrt(6) / math.sqrt(2 * E_NUM)
    E_table = jax.random.uniform(k2, (E_NUM, D), minval=-bnd, maxval=bnd, dtype=jnp.float32)
    R_table = jax.random.uniform(k3, (R_NUM, D * D), minval=-bnd, maxval=bnd, dtype=jnp.float32)
    return {"x": x, "E_table": E_table, "R_table": R_table}

def reference(x, E_table, R_table):
    # Faithful translation: take the FIRST triple of the batch, as the
    # original keras layer does with K.cast(x, 'int32')[0].
    triple = x[0].astype(jnp.int32)
    s = triple[0]
    o = triple[1]
    p = triple[2]
    s2v = jnp.take(E_table, s, axis=0)
    o2v = jnp.take(E_table, o, axis=0)
    r2v = jnp.take(R_table, p, axis=0)
    # ccorr in this test implementation is outer(a, b).flatten()
    corr = jnp.outer(s2v, o2v).reshape(-1)
    eta = jnp.dot(r2v, corr)
    return eta

if __name__ == "__main__":
    import jax
    _d = setup_inputs()
    print(jax.jit(kernel)(*tuple(_d.values())))

</pallas_src>

<mosaic_0001>
#map = affine_map<(d0, d1) -> (0)>
#map1 = affine_map<(d0, d1) -> (0, 0)>
module attributes {stable_mosaic.version = 14 : i64} {
  func.func @_holo_body(%arg0: i32, %arg1: i32, %arg2: memref<3xi32, #tpu.memory_space<hbm>>, %arg3: memref<100000x128xf32, #tpu.memory_space<hbm>>, %arg4: memref<1000x16384xf32, #tpu.memory_space<hbm>>, %arg5: memref<1xf32, #tpu.memory_space<hbm>>, %arg6: memref<16xi32, #tpu.memory_space<vmem>>, %arg7: memref<2xi32, #tpu.memory_space<vmem>>, %arg8: memref<2x128xf32, #tpu.memory_space<vmem>>, %arg9: memref<1024xf32, #tpu.memory_space<vmem>>, %arg10: memref<16xf32, #tpu.memory_space<vmem>>, %arg11: memref<16xf32, #tpu.memory_space<vmem>>, %arg12: memref<16x128xf32, #tpu.memory_space<vmem_shared>>, %arg13: memref<16x128xf32, #tpu.memory_space<vmem>>, %arg14: memref<!tpu.dma_semaphore, #tpu.memory_space<semaphore_mem>>, %arg15: memref<!tpu.dma_semaphore, #tpu.memory_space<semaphore_mem>>) attributes {dimension_semantics = [#tpu.dimension_semantics<core_parallel>, #tpu.dimension_semantics<subcore_parallel>], iteration_bounds = array<i64: 1, 16>, scalar_prefetch = 0 : i64, scratch_operands = 10 : i64, tpu.core_type = #tpu.core_type<sc_vector_subcore>, window_params = [{transform_indices = #map}, {transform_indices = #map1}, {transform_indices = #map1}, {transform_indices = #map}]} {
    %iota3A = tpu.iota {dimensions = array<i32: 0>} : vector<16xi32>
    %broadcast_in_dim3A = arith.constant 0 : i32
    %broadcast_in_dim3A_0 = vector.broadcast %broadcast_in_dim3A : i32 to vector<16xi32>
    "tpu.region"() ({
      %run_scoped3A = tpu.sem_alloc : memref<!tpu.dma_semaphore, #tpu.memory_space<semaphore_mem>>
      %dma_start3A_628 = arith.constant 0 : i32
      %dma_start3A_629 = tpu.memref_slice %arg6[%dma_start3A_628] : memref<16xi32, #tpu.memory_space<vmem>> -> memref<3xi32, #tpu.memory_space<vmem>>
      %dma_start3A_630 = arith.constant 0 : i32
      %dma_start3A_631 = tpu.memref_slice %arg6[%dma_start3A_630] : memref<16xi32, #tpu.memory_space<vmem>> -> memref<3xi32, #tpu.memory_space<vmem>>
      tpu.enqueue_dma source(%arg2 : memref<3xi32, #tpu.memory_space<hbm>>) target(%dma_start3A_631 : memref<3xi32, #tpu.memory_space<vmem>>) target_semaphore(%run_scoped3A : memref<!tpu.dma_semaphore, #tpu.memory_space<semaphore_mem>>)
      %dma_wait3A_632 = arith.constant 0 : i32
      %dma_wait3A_633 = tpu.memref_slice %arg6[%dma_wait3A_632] : memref<16xi32, #tpu.memory_space<vmem>> -> memref<3xi32, #tpu.memory_space<vmem>>
      %dma_wait3A_634 = arith.constant 0 : i32
      %dma_wait3A_635 = tpu.memref_slice %arg6[%dma_wait3A_634] : memref<16xi32, #tpu.memory_space<vmem>> -> memref<3xi32, #tpu.memory_space<vmem>>
      tpu.wait_dma2 semaphore(%run_scoped3A : memref<!tpu.dma_semaphore, #tpu.memory_space<semaphore_mem>>) src(%arg2 : memref<3xi32, #tpu.memory_space<hbm>>) dst(%dma_wait3A_635 : memref<3xi32, #tpu.memory_space<vmem>>)
      tpu.yield
    }) : () -> ()
    %add3A = arith.constant 2 : i32
    %add3A_1 = vector.broadcast %add3A : i32 to vector<16xi32>
    %add3A_2 = arith.addi %broadcast_in_dim3A_0, %add3A_1 : vector<16xi32>
    %gather3A = tpu.vector_load_idx %arg6[%add3A_2] : memref<16xi32, #tpu.memory_space<vmem>>[vector<16xi32>], vector<16xi32>,
    %reduce_max3A = arith.constant true
    %reduce_max3A_3 = vector.broadcast %reduce_max3A : i1 to vector<16xi1>
    %reduce_max3A_4 = arith.constant -2147483648 : i32
    %reduce_max3A_5 = vector.broadcast %reduce_max3A_4 : i32 to vector<16xi32>
    %reduce_max3A_6 = arith.xori %gather3A, %reduce_max3A_5 : vector<16xi32>
    %reduce_max3A_7 = tpu.scan <max>, %reduce_max3A_6 masked %reduce_max3A_3 : vector<16xi32>, vector<16xi1> -> vector<16xi32>
    %reduce_max3A_8 = arith.xori %reduce_max3A_7, %reduce_max3A_5 : vector<16xi32>
    %reduce_max3A_9 = vector.extract %reduce_max3A_8[15] : i32 from vector<16xi32>
    %ne3A = arith.constant 1 : i32
    %ne3A_10 = vector.broadcast %ne3A : i32 to vector<16xi32>
    %ne3A_11 = arith.cmpi ne, %iota3A, %ne3A_10 : vector<16xi32>
    %convert_element_type3A = arith.extui %ne3A_11 : vector<16xi1> to vector<16xi32>
    %gather3A_12 = tpu.vector_load_idx %arg6[%convert_element_type3A] : memref<16xi32, #tpu.memory_space<vmem>>[vector<16xi32>], vector<16xi32>,
    %lt3A = arith.constant 2 : i32
    %lt3A_13 = vector.broadcast %lt3A : i32 to vector<16xi32>
    %lt3A_14 = arith.cmpi slt, %iota3A, %lt3A_13 : vector<16xi32>
    tpu.vector_store_idx %arg7[%iota3A], %gather3A_12 masked %lt3A_14 : memref<2xi32, #tpu.memory_space<vmem>>[vector<16xi32>], vector<16xi32>, vector<16xi1>
    %dma_start3A = arith.constant 0 : i32
    %dma_start3A_15 = arith.constant 0 : i32
    %dma_start3A_16 = tpu.memref_slice %arg3[%dma_start3A, %dma_start3A_15] : memref<100000x128xf32, #tpu.memory_space<hbm>> -> memref<100000x128xf32, #tpu.memory_space<hbm>>
    tpu.enqueue_indirect_dma source(%dma_start3A_16 : memref<100000x128xf32, #tpu.memory_space<hbm>>) target(%arg8 : memref<2x128xf32, #tpu.memory_space<vmem>>) offsets(%arg7 : memref<2xi32, #tpu.memory_space<vmem>>) semaphore(%arg14 : memref<!tpu.dma_semaphore, #tpu.memory_space<semaphore_mem>>)
    %mul3A = arith.constant 1024 : i32
    %mul3A_17 = arith.muli %arg1, %mul3A : i32
    %dma_start3A_18 = tpu.memref_slice %arg4[%reduce_max3A_9, %mul3A_17] : memref<1000x16384xf32, #tpu.memory_space<hbm>> -> memref<1x1024xf32, #tpu.memory_space<hbm>>
    %dma_start3A_19 = tpu.memref_squeeze %dma_start3A_18 : memref<1x1024xf32, #tpu.memory_space<hbm>> -> memref<1024xf32, #tpu.memory_space<hbm>>
    %dma_start3A_20 = tpu.memref_slice %arg4[%reduce_max3A_9, %mul3A_17] : memref<1000x16384xf32, #tpu.memory_space<hbm>> -> memref<1x1024xf32, #tpu.memory_space<hbm>>
    %dma_start3A_21 = tpu.memref_squeeze %dma_start3A_20 : memref<1x1024xf32, #tpu.memory_space<hbm>> -> memref<1024xf32, #tpu.memory_space<hbm>>
    tpu.enqueue_dma source(%dma_start3A_21 : memref<1024xf32, #tpu.memory_space<hbm>>) target(%arg9 : memref<1024xf32, #tpu.memory_space<vmem>>) target_semaphore(%arg15 : memref<!tpu.dma_semaphore, #tpu.memory_space<semaphore_mem>>)
    %dma_wait3A = arith.constant 0 : i32
    %dma_wait3A_22 = arith.constant 0 : i32
    %dma_wait3A_23 = tpu.memref_slice %arg3[%dma_wait3A, %dma_wait3A_22] : memref<100000x128xf32, #tpu.memory_space<hbm>> -> memref<100000x128xf32, #tpu.memory_space<hbm>>
    tpu.wait_indirect_dma semaphore(%arg14 : memref<!tpu.dma_semaphore, #tpu.memory_space<semaphore_mem>>) src(%dma_wait3A_23 : memref<100000x128xf32, #tpu.memory_space<hbm>>) dst(%arg8 : memref<2x128xf32, #tpu.memory_space<vmem>>)
    %dma_wait3A_24 = tpu.memref_slice %arg4[%reduce_max3A_9, %mul3A_17] : memref<1000x16384xf32, #tpu.memory_space<hbm>> -> memref<1x1024xf32, #tpu.memory_space<hbm>>
    %dma_wait3A_25 = tpu.memref_squeeze %dma_wait3A_24 : memref<1x1024xf32, #tpu.memory_space<hbm>> -> memref<1024xf32, #tpu.memory_space<hbm>>
    %dma_wait3A_26 = tpu.memref_slice %arg4[%reduce_max3A_9, %mul3A_17] : memref<1000x16384xf32, #tpu.memory_space<hbm>> -> memref<1x1024xf32, #tpu.memory_space<hbm>>
    %dma_wait3A_27 = tpu.memref_squeeze %dma_wait3A_26 : memref<1x1024xf32, #tpu.memory_space<hbm>> -> memref<1024xf32, #tpu.memory_space<hbm>>
    tpu.wait_dma2 semaphore(%arg15 : memref<!tpu.dma_semaphore, #tpu.memory_space<semaphore_mem>>) src(%dma_wait3A_27 : memref<1024xf32, #tpu.memory_space<hbm>>) dst(%arg9 : memref<1024xf32, #tpu.memory_space<vmem>>)
    %add3A_28 = arith.constant 1 : i32
    %add3A_29 = vector.broadcast %add3A_28 : i32 to vector<16xi32>
    %add3A_30 = arith.addi %broadcast_in_dim3A_0, %add3A_29 : vector<16xi32>
    %broadcast_in_dim3A_31 = arith.constant 0.000000e+00 : f32
    %broadcast_in_dim3A_32 = vector.broadcast %broadcast_in_dim3A_31 : f32 to vector<16xf32>
    %mul3A_33 = arith.constant 8 : i32
    %mul3A_34 = arith.muli %arg1, %mul3A_33 : i32
    %add3A_35 = arith.constant 0 : i32
    %add3A_36 = arith.addi %mul3A_34, %add3A_35 : i32
    %broadcast_in_dim3A_37 = vector.broadcast %add3A_36 : i32 to vector<16xi32>
    %gather3A_38 = tpu.vector_load_idx %arg8[%add3A_30, %broadcast_in_dim3A_37] : memref<2x128xf32, #tpu.memory_space<vmem>>[vector<16xi32>, vector<16xi32>], vector<16xf32>,
    %broadcast_in_dim3A_39 = arith.constant 0.000000e+00 : f32
    %broadcast_in_dim3A_40 = vector.broadcast %broadcast_in_dim3A_39 : f32 to vector<16xf32>
    %get3A = arith.constant 0 : i32
    %get3A_41 = arith.index_cast %get3A : i32 to index
    %get3A_42 = arith.constant 0 : index
    %get3A_43 = tpu.vector_load %arg8[%get3A_41, %get3A_42] {strides = array<i32>} : memref<2x128xf32, #tpu.memory_space<vmem>>, vector<16xf32>,
    %get3A_44 = arith.constant 0 : i32
    %get3A_45 = arith.index_cast %get3A_44 : i32 to index
    %get3A_46 = arith.constant 16 : index
    %get3A_47 = tpu.vector_load %arg8[%get3A_45, %get3A_46] {strides = array<i32>} : memref<2x128xf32, #tpu.memory_space<vmem>>, vector<16xf32>,
    %get3A_48 = arith.constant 0 : index
    %get3A_49 = tpu.vector_load %arg9[%get3A_48] {strides = array<i32>} : memref<1024xf32, #tpu.memory_space<vmem>>, vector<16xf32>,
    %mul3A_50 = arith.mulf %get3A_49, %get3A_43 : vector<16xf32>
    %add3A_51 = arith.addf %broadcast_in_dim3A_40, %mul3A_50 : vector<16xf32>
    %get3A_52 = arith.constant 16 : index
    %get3A_53 = tpu.vector_load %arg9[%get3A_52] {strides = array<i32>} : memref<1024xf32, #tpu.memory_space<vmem>>, vector<16xf32>,
    %mul3A_54 = arith.mulf %get3A_53, %get3A_47 : vector<16xf32>
    %add3A_55 = arith.addf %add3A_51, %mul3A_54 : vector<16xf32>
    %get3A_56 = arith.constant 0 : i32
    %get3A_57 = arith.index_cast %get3A_56 : i32 to index
    %get3A_58 = arith.constant 32 : index
    %get3A_59 = tpu.vector_load %arg8[%get3A_57, %get3A_58] {strides = array<i32>} : memref<2x128xf32, #tpu.memory_space<vmem>>, vector<16xf32>,
    %get3A_60 = arith.constant 0 : i32
    %get3A_61 = arith.index_cast %get3A_60 : i32 to index
    %get3A_62 = arith.constant 48 : index
    %get3A_63 = tpu.vector_load %arg8[%get3A_61, %get3A_62] {strides = array<i32>} : memref<2x128xf32, #tpu.memory_space<vmem>>, vector<16xf32>,
    %get3A_64 = arith.constant 32 : index
    %get3A_65 = tpu.vector_load %arg9[%get3A_64] {strides = array<i32>} : memref<1024xf32, #tpu.memory_space<vmem>>, vector<16xf32>,
    %mul3A_66 = arith.mulf %get3A_65, %get3A_59 : vector<16xf32>
    %add3A_67 = arith.addf %add3A_55, %mul3A_66 : vector<16xf32>
    %get3A_68 = arith.constant 48 : index
    %get3A_69 = tpu.vector_load %arg9[%get3A_68] {strides = array<i32>} : memref<1024xf32, #tpu.memory_space<vmem>>, vector<16xf32>,
    %mul3A_70 = arith.mulf %get3A_69, %get3A_63 : vector<16xf32>
    %add3A_71 = arith.addf %add3A_67, %mul3A_70 : vector<16xf32>
    %get3A_72 = arith.constant 0 : i32
    %get3A_73 = arith.index_cast %get3A_72 : i32 to index
    %get3A_74 = arith.constant 64 : index
    %get3A_75 = tpu.vector_load %arg8[%get3A_73, %get3A_74] {strides = array<i32>} : memref<2x128xf32, #tpu.memory_space<vmem>>, vector<16xf32>,
    %get3A_76 = arith.constant 0 : i32
    %get3A_77 = arith.index_cast %get3A_76 : i32 to index
    %get3A_78 = arith.constant 80 : index
    %get3A_79 = tpu.vector_load %arg8[%get3A_77, %get3A_78] {strides = array<i32>} : memref<2x128xf32, #tpu.memory_space<vmem>>, vector<16xf32>,
    %get3A_80 = arith.constant 64 : index
    %get3A_81 = tpu.vector_load %arg9[%get3A_80] {strides = array<i32>} : memref<1024xf32, #tpu.memory_space<vmem>>, vector<16xf32>,
    %mul3A_82 = arith.mulf %get3A_81, %get3A_75 : vector<16xf32>
    %add3A_83 = arith.addf %add3A_71, %mul3A_82 : vector<16xf32>
    %get3A_84 = arith.constant 80 : index
    %get3A_85 = tpu.vector_load %arg9[%get3A_84] {strides = array<i32>} : memref<1024xf32, #tpu.memory_space<vmem>>, vector<16xf32>,
    %mul3A_86 = arith.mulf %get3A_85, %get3A_79 : vector<16xf32>
    %add3A_87 = arith.addf %add3A_83, %mul3A_86 : vector<16xf32>
    %get3A_88 = arith.constant 0 : i32
    %get3A_89 = arith.index_cast %get3A_88 : i32 to index
    %get3A_90 = arith.constant 96 : index
    %get3A_91 = tpu.vector_load %arg8[%get3A_89, %get3A_90] {strides = array<i32>} : memref<2x128xf32, #tpu.memory_space<vmem>>, vector<16xf32>,
    %get3A_92 = arith.constant 0 : i32
    %get3A_93 = arith.index_cast %get3A_92 : i32 to index
    %get3A_94 = arith.constant 112 : index
    %get3A_95 = tpu.vector_load %arg8[%get3A_93, %get3A_94] {strides = array<i32>} : memref<2x128xf32, #tpu.memory_space<vmem>>, vector<16xf32>,
    %get3A_96 = arith.constant 96 : index
    %get3A_97 = tpu.vector_load %arg9[%get3A_96] {strides = array<i32>} : memref<1024xf32, #tpu.memory_space<vmem>>, vector<16xf32>,
    %mul3A_98 = arith.mulf %get3A_97, %get3A_91 : vector<16xf32>
    %add3A_99 = arith.addf %add3A_87, %mul3A_98 : vector<16xf32>
    %get3A_100 = arith.constant 112 : index
    %get3A_101 = tpu.vector_load %arg9[%get3A_100] {strides = array<i32>} : memref<1024xf32, #tpu.memory_space<vmem>>, vector<16xf32>,
    %mul3A_102 = arith.mulf %get3A_101, %get3A_95 : vector<16xf32>
    %add3A_103 = arith.addf %add3A_99, %mul3A_102 : vector<16xf32>
    %mul3A_104 = arith.mulf %gather3A_38, %add3A_103 : vector<16xf32>
    %add3A_105 = arith.addf %broadcast_in_dim3A_32, %mul3A_104 : vector<16xf32>
    %mul3A_106 = arith.constant 8 : i32
    %mul3A_107 = arith.muli %arg1, %mul3A_106 : i32
    %add3A_108 = arith.constant 1 : i32
    %add3A_109 = arith.addi %mul3A_107, %add3A_108 : i32
    %broadcast_in_dim3A_110 = vector.broadcast %add3A_109 : i32 to vector<16xi32>
    %gather3A_111 = tpu.vector_load_idx %arg8[%add3A_30, %broadcast_in_dim3A_110] : memref<2x128xf32, #tpu.memory_space<vmem>>[vector<16xi32>, vector<16xi32>], vector<16xf32>,
    %broadcast_in_dim3A_112 = arith.constant 0.000000e+00 : f32
    %broadcast_in_dim3A_113 = vector.broadcast %broadcast_in_dim3A_112 : f32 to vector<16xf32>
    %get3A_114 = arith.constant 0 : i32
    %get3A_115 = arith.index_cast %get3A_114 : i32 to index
    %get3A_116 = arith.constant 0 : index
    %get3A_117 = tpu.vector_load %arg8[%get3A_115, %get3A_116] {strides = array<i32>} : memref<2x128xf32, #tpu.memory_space<vmem>>, vector<16xf32>,
    %get3A_118 = arith.constant 0 : i32
    %get3A_119 = arith.index_cast %get3A_118 : i32 to index
    %get3A_120 = arith.constant 16 : index
    %get3A_121 = tpu.vector_load %arg8[%get3A_119, %get3A_120] {strides = array<i32>} : memref<2x128xf32, #tpu.memory_space<vmem>>, vector<16xf32>,
    %get3A_122 = arith.constant 128 : index
    %get3A_123 = tpu.vector_load %arg9[%get3A_122] {strides = array<i32>} : memref<1024xf32, #tpu.memory_space<vmem>>, vector<16xf32>,
    %mul3A_124 = arith.mulf %get3A_123, %get3A_117 : vector<16xf32>
    %add3A_125 = arith.addf %broadcast_in_dim3A_113, %mul3A_124 : vector<16xf32>
    %get3A_126 = arith.constant 144 : index
    %get3A_127 = tpu.vector_load %arg9[%get3A_126] {strides = array<i32>} : memref<1024xf32, #tpu.memory_space<vmem>>, vector<16xf32>,
    %mul3A_128 = arith.mulf %get3A_127, %get3A_121 : vector<16xf32>
    %add3A_129 = arith.addf %add3A_125, %mul3A_128 : vector<16xf32>
    %get3A_130 = arith.constant 0 : i32
    %get3A_131 = arith.index_cast %get3A_130 : i32 to index
    %get3A_132 = arith.constant 32 : index
    %get3A_133 = tpu.vector_load %arg8[%get3A_131, %get3A_132] {strides = array<i32>} : memref<2x128xf32, #tpu.memory_space<vmem>>, vector<16xf32>,
    %get3A_134 = arith.constant 0 : i32
    %get3A_135 = arith.index_cast %get3A_134 : i32 to index
    %get3A_136 = arith.constant 48 : index
    %get3A_137 = tpu.vector_load %arg8[%get3A_135, %get3A_136] {strides = array<i32>} : memref<2x128xf32, #tpu.memory_space<vmem>>, vector<16xf32>,
    %get3A_138 = arith.constant 160 : index
    %get3A_139 = tpu.vector_load %arg9[%get3A_138] {strides = array<i32>} : memref<1024xf32, #tpu.memory_space<vmem>>, vector<16xf32>,
    %mul3A_140 = arith.mulf %get3A_139, %get3A_133 : vector<16xf32>
    %add3A_141 = arith.addf %add3A_129, %mul3A_140 : vector<16xf32>
    %get3A_142 = arith.constant 176 : index
    %get3A_143 = tpu.vector_load %arg9[%get3A_142] {strides = array<i32>} : memref<1024xf32, #tpu.memory_space<vmem>>, vector<16xf32>,
    %mul3A_144 = arith.mulf %get3A_143, %get3A_137 : vector<16xf32>
    %add3A_145 = arith.addf %add3A_141, %mul3A_144 : vector<16xf32>
    %get3A_146 = arith.constant 0 : i32
    %get3A_147 = arith.index_cast %get3A_146 : i32 to index
    %get3A_148 = arith.constant 64 : index
    %get3A_149 = tpu.vector_load %arg8[%get3A_147, %get3A_148] {strides = array<i32>} : memref<2x128xf32, #tpu.memory_space<vmem>>, vector<16xf32>,
    %get3A_150 = arith.constant 0 : i32
    %get3A_151 = arith.index_cast %get3A_150 : i32 to index
    %get3A_152 = arith.constant 80 : index
    %get3A_153 = tpu.vector_load %arg8[%get3A_151, %get3A_152] {strides = array<i32>} : memref<2x128xf32, #tpu.memory_space<vmem>>, vector<16xf32>,
    %get3A_154 = arith.constant 192 : index
    %get3A_155 = tpu.vector_load %arg9[%get3A_154] {strides = array<i32>} : memref<1024xf32, #tpu.memory_space<vmem>>, vector<16xf32>,
    %mul3A_156 = arith.mulf %get3A_155, %get3A_149 : vector<16xf32>
    %add3A_157 = arith.addf %add3A_145, %mul3A_156 : vector<16xf32>
    %get3A_158 = arith.constant 208 : index
    %get3A_159 = tpu.vector_load %arg9[%get3A_158] {strides = array<i32>} : memref<1024xf32, #tpu.memory_space<vmem>>, vector<16xf32>,
    %mul3A_160 = arith.mulf %get3A_159, %get3A_153 : vector<16xf32>
    %add3A_161 = arith.addf %add3A_157, %mul3A_160 : vector<16xf32>
    %get3A_162 = arith.constant 0 : i32
    %get3A_163 = arith.index_cast %get3A_162 : i32 to index
    %get3A_164 = arith.constant 96 : index
    %get3A_165 = tpu.vector_load %arg8[%get3A_163, %get3A_164] {strides = array<i32>} : memref<2x128xf32, #tpu.memory_space<vmem>>, vector<16xf32>,
    %get3A_166 = arith.constant 0 : i32
    %get3A_167 = arith.index_cast %get3A_166 : i32 to index
    %get3A_168 = arith.constant 112 : index
    %get3A_169 = tpu.vector_load %arg8[%get3A_167, %get3A_168] {strides = array<i32>} : memref<2x128xf32, #tpu.memory_space<vmem>>, vector<16xf32>,
    %get3A_170 = arith.constant 224 : index
    %get3A_171 = tpu.vector_load %arg9[%get3A_170] {strides = array<i32>} : memref<1024xf32, #tpu.memory_space<vmem>>, vector<16xf32>,
    %mul3A_172 = arith.mulf %get3A_171, %get3A_165 : vector<16xf32>
    %add3A_173 = arith.addf %add3A_161, %mul3A_172 : vector<16xf32>
    %get3A_174 = arith.constant 240 : index
    %get3A_175 = tpu.vector_load %arg9[%get3A_174] {strides = array<i32>} : memref<1024xf32, #tpu.memory_space<vmem>>, vector<16xf32>,
    %mul3A_176 = arith.mulf %get3A_175, %get3A_169 : vector<16xf32>
    %add3A_177 = arith.addf %add3A_173, %mul3A_176 : vector<16xf32>
    %mul3A_178 = arith.mulf %gather3A_111, %add3A_177 : vector<16xf32>
    %add3A_179 = arith.addf %add3A_105, %mul3A_178 : vector<16xf32>
    %mul3A_180 = arith.constant 8 : i32
    %mul3A_181 = arith.muli %arg1, %mul3A_180 : i32
    %add3A_182 = arith.constant 2 : i32
    %add3A_183 = arith.addi %mul3A_181, %add3A_182 : i32
    %broadcast_in_dim3A_184 = vector.broadcast %add3A_183 : i32 to vector<16xi32>
    %gather3A_185 = tpu.vector_load_idx %arg8[%add3A_30, %broadcast_in_dim3A_184] : memref<2x128xf32, #tpu.memory_space<vmem>>[vector<16xi32>, vector<16xi32>], vector<16xf32>,
    %broadcast_in_dim3A_186 = arith.constant 0.000000e+00 : f32
    %broadcast_in_dim3A_187 = vector.broadcast %broadcast_in_dim3A_186 : f32 to vector<16xf32>
    %get3A_188 = arith.constant 0 : i32
    %get3A_189 = arith.index_cast %get3A_188 : i32 to index
    %get3A_190 = arith.constant 0 : index
    %get3A_191 = tpu.vector_load %arg8[%get3A_189, %get3A_190] {strides = array<i32>} : memref<2x128xf32, #tpu.memory_space<vmem>>, vector<16xf32>,
    %get3A_192 = arith.constant 0 : i32
    %get3A_193 = arith.index_cast %get3A_192 : i32 to index
    %get3A_194 = arith.constant 16 : index
    %get3A_195 = tpu.vector_load %arg8[%get3A_193, %get3A_194] {strides = array<i32>} : memref<2x128xf32, #tpu.memory_space<vmem>>, vector<16xf32>,
    %get3A_196 = arith.constant 256 : index
    %get3A_197 = tpu.vector_load %arg9[%get3A_196] {strides = array<i32>} : memref<1024xf32, #tpu.memory_space<vmem>>, vector<16xf32>,
    %mul3A_198 = arith.mulf %get3A_197, %get3A_191 : vector<16xf32>
    %add3A_199 = arith.addf %broadcast_in_dim3A_187, %mul3A_198 : vector<16xf32>
    %get3A_200 = arith.constant 272 : index
    %get3A_201 = tpu.vector_load %arg9[%get3A_200] {strides = array<i32>} : memref<1024xf32, #tpu.memory_space<vmem>>, vector<16xf32>,
    %mul3A_202 = arith.mulf %get3A_201, %get3A_195 : vector<16xf32>
    %add3A_203 = arith.addf %add3A_199, %mul3A_202 : vector<16xf32>
    %get3A_204 = arith.constant 0 : i32
    %get3A_205 = arith.index_cast %get3A_204 : i32 to index
    %get3A_206 = arith.constant 32 : index
    %get3A_207 = tpu.vector_load %arg8[%get3A_205, %get3A_206] {strides = array<i32>} : memref<2x128xf32, #tpu.memory_space<vmem>>, vector<16xf32>,
    %get3A_208 = arith.constant 0 : i32
    %get3A_209 = arith.index_cast %get3A_208 : i32 to index
    %get3A_210 = arith.constant 48 : index
    %get3A_211 = tpu.vector_load %arg8[%get3A_209, %get3A_210] {strides = array<i32>} : memref<2x128xf32, #tpu.memory_space<vmem>>, vector<16xf32>,
    %get3A_212 = arith.constant 288 : index
    %get3A_213 = tpu.vector_load %arg9[%get3A_212] {strides = array<i32>} : memref<1024xf32, #tpu.memory_space<vmem>>, vector<16xf32>,
    %mul3A_214 = arith.mulf %get3A_213, %get3A_207 : vector<16xf32>
    %add3A_215 = arith.addf %add3A_203, %mul3A_214 : vector<16xf32>
    %get3A_216 = arith.constant 304 : index
    %get3A_217 = tpu.vector_load %arg9[%get3A_216] {strides = array<i32>} : memref<1024xf32, #tpu.memory_space<vmem>>, vector<16xf32>,
    %mul3A_218 = arith.mulf %get3A_217, %get3A_211 : vector<16xf32>
    %add3A_219 = arith.addf %add3A_215, %mul3A_218 : vector<16xf32>
    %get3A_220 = arith.constant 0 : i32
    %get3A_221 = arith.index_cast %get3A_220 : i32 to index
    %get3A_222 = arith.constant 64 : index
    %get3A_223 = tpu.vector_load %arg8[%get3A_221, %get3A_222] {strides = array<i32>} : memref<2x128xf32, #tpu.memory_space<vmem>>, vector<16xf32>,
    %get3A_224 = arith.constant 0 : i32
    %get3A_225 = arith.index_cast %get3A_224 : i32 to index
    %get3A_226 = arith.constant 80 : index
    %get3A_227 = tpu.vector_load %arg8[%get3A_225, %get3A_226] {strides = array<i32>} : memref<2x128xf32, #tpu.memory_space<vmem>>, vector<16xf32>,
    %get3A_228 = arith.constant 320 : index
    %get3A_229 = tpu.vector_load %arg9[%get3A_228] {strides = array<i32>} : memref<1024xf32, #tpu.memory_space<vmem>>, vector<16xf32>,
    %mul3A_230 = arith.mulf %get3A_229, %get3A_223 : vector<16xf32>
    %add3A_231 = arith.addf %add3A_219, %mul3A_230 : vector<16xf32>
    %get3A_232 = arith.constant 336 : index
    %get3A_233 = tpu.vector_load %arg9[%get3A_232] {strides = array<i32>} : memref<1024xf32, #tpu.memory_space<vmem>>, vector<16xf32>,
    %mul3A_234 = arith.mulf %get3A_233, %get3A_227 : vector<16xf32>
    %add3A_235 = arith.addf %add3A_231, %mul3A_234 : vector<16xf32>
    %get3A_236 = arith.constant 0 : i32
    %get3A_237 = arith.index_cast %get3A_236 : i32 to index
    %get3A_238 = arith.constant 96 : index
    %get3A_239 = tpu.vector_load %arg8[%get3A_237, %get3A_238] {strides = array<i32>} : memref<2x128xf32, #tpu.memory_space<vmem>>, vector<16xf32>,
    %get3A_240 = arith.constant 0 : i32
    %get3A_241 = arith.index_cast %get3A_240 : i32 to index
    %get3A_242 = arith.constant 112 : index
    %get3A_243 = tpu.vector_load %arg8[%get3A_241, %get3A_242] {strides = array<i32>} : memref<2x128xf32, #tpu.memory_space<vmem>>, vector<16xf32>,
    %get3A_244 = arith.constant 352 : index
    %get3A_245 = tpu.vector_load %arg9[%get3A_244] {strides = array<i32>} : memref<1024xf32, #tpu.memory_space<vmem>>, vector<16xf32>,
    %mul3A_246 = arith.mulf %get3A_245, %get3A_239 : vector<16xf32>
    %add3A_247 = arith.addf %add3A_235, %mul3A_246 : vector<16xf32>
    %get3A_248 = arith.constant 368 : index
    %get3A_249 = tpu.vector_load %arg9[%get3A_248] {strides = array<i32>} : memref<1024xf32, #tpu.memory_space<vmem>>, vector<16xf32>,
    %mul3A_250 = arith.mulf %get3A_249, %get3A_243 : vector<16xf32>
    %add3A_251 = arith.addf %add3A_247, %mul3A_250 : vector<16xf32>
    %mul3A_252 = arith.mulf %gather3A_185, %add3A_251 : vector<16xf32>
    %add3A_253 = arith.addf %add3A_179, %mul3A_252 : vector<16xf32>
    %mul3A_254 = arith.constant 8 : i32
    %mul3A_255 = arith.muli %arg1, %mul3A_254 : i32
    %add3A_256 = arith.constant 3 : i32
    %add3A_257 = arith.addi %mul3A_255, %add3A_256 : i32
    %broadcast_in_dim3A_258 = vector.broadcast %add3A_257 : i32 to vector<16xi32>
    %gather3A_259 = tpu.vector_load_idx %arg8[%add3A_30, %broadcast_in_dim3A_258] : memref<2x128xf32, #tpu.memory_space<vmem>>[vector<16xi32>, vector<16xi32>], vector<16xf32>,
    %broadcast_in_dim3A_260 = arith.constant 0.000000e+00 : f32
    %broadcast_in_dim3A_261 = vector.broadcast %broadcast_in_dim3A_260 : f32 to vector<16xf32>
    %get3A_262 = arith.constant 0 : i32
    %get3A_263 = arith.index_cast %get3A_262 : i32 to index
    %get3A_264 = arith.constant 0 : index
    %get3A_265 = tpu.vector_load %arg8[%get3A_263, %get3A_264] {strides = array<i32>} : memref<2x128xf32, #tpu.memory_space<vmem>>, vector<16xf32>,
    %get3A_266 = arith.constant 0 : i32
    %get3A_267 = arith.index_cast %get3A_266 : i32 to index
    %get3A_268 = arith.constant 16 : index
    %get3A_269 = tpu.vector_load %arg8[%get3A_267, %get3A_268] {strides = array<i32>} : memref<2x128xf32, #tpu.memory_space<vmem>>, vector<16xf32>,
    %get3A_270 = arith.constant 384 : index
    %get3A_271 = tpu.vector_load %arg9[%get3A_270] {strides = array<i32>} : memref<1024xf32, #tpu.memory_space<vmem>>, vector<16xf32>,
    %mul3A_272 = arith.mulf %get3A_271, %get3A_265 : vector<16xf32>
    %add3A_273 = arith.addf %broadcast_in_dim3A_261, %mul3A_272 : vector<16xf32>
    %get3A_274 = arith.constant 400 : index
    %get3A_275 = tpu.vector_load %arg9[%get3A_274] {strides = array<i32>} : memref<1024xf32, #tpu.memory_space<vmem>>, vector<16xf32>,
    %mul3A_276 = arith.mulf %get3A_275, %get3A_269 : vector<16xf32>
    %add3A_277 = arith.addf %add3A_273, %mul3A_276 : vector<16xf32>
    %get3A_278 = arith.constant 0 : i32
    %get3A_279 = arith.index_cast %get3A_278 : i32 to index
    %get3A_280 = arith.constant 32 : index
    %get3A_281 = tpu.vector_load %arg8[%get3A_279, %get3A_280] {strides = array<i32>} : memref<2x128xf32, #tpu.memory_space<vmem>>, vector<16xf32>,
    %get3A_282 = arith.constant 0 : i32
    %get3A_283 = arith.index_cast %get3A_282 : i32 to index
    %get3A_284 = arith.constant 48 : index
    %get3A_285 = tpu.vector_load %arg8[%get3A_283, %get3A_284] {strides = array<i32>} : memref<2x128xf32, #tpu.memory_space<vmem>>, vector<16xf32>,
    %get3A_286 = arith.constant 416 : index
    %get3A_287 = tpu.vector_load %arg9[%get3A_286] {strides = array<i32>} : memref<1024xf32, #tpu.memory_space<vmem>>, vector<16xf32>,
    %mul3A_288 = arith.mulf %get3A_287, %get3A_281 : vector<16xf32>
    %add3A_289 = arith.addf %add3A_277, %mul3A_288 : vector<16xf32>
    %get3A_290 = arith.constant 432 : index
    %get3A_291 = tpu.vector_load %arg9[%get3A_290] {strides = array<i32>} : memref<1024xf32, #tpu.memory_space<vmem>>, vector<16xf32>,
    %mul3A_292 = arith.mulf %get3A_291, %get3A_285 : vector<16xf32>
    %add3A_293 = arith.addf %add3A_289, %mul3A_292 : vector<16xf32>
    %get3A_294 = arith.constant 0 : i32
    %get3A_295 = arith.index_cast %get3A_294 : i32 to index
    %get3A_296 = arith.constant 64 : index
    %get3A_297 = tpu.vector_load %arg8[%get3A_295, %get3A_296] {strides = array<i32>} : memref<2x128xf32, #tpu.memory_space<vmem>>, vector<16xf32>,
    %get3A_298 = arith.constant 0 : i32
    %get3A_299 = arith.index_cast %get3A_298 : i32 to index
    %get3A_300 = arith.constant 80 : index
    %get3A_301 = tpu.vector_load %arg8[%get3A_299, %get3A_300] {strides = array<i32>} : memref<2x128xf32, #tpu.memory_space<vmem>>, vector<16xf32>,
    %get3A_302 = arith.constant 448 : index
    %get3A_303 = tpu.vector_load %arg9[%get3A_302] {strides = array<i32>} : memref<1024xf32, #tpu.memory_space<vmem>>, vector<16xf32>,
    %mul3A_304 = arith.mulf %get3A_303, %get3A_297 : vector<16xf32>
    %add3A_305 = arith.addf %add3A_293, %mul3A_304 : vector<16xf32>
    %get3A_306 = arith.constant 464 : index
    %get3A_307 = tpu.vector_load %arg9[%get3A_306] {strides = array<i32>} : memref<1024xf32, #tpu.memory_space<vmem>>, vector<16xf32>,
    %mul3A_308 = arith.mulf %get3A_307, %get3A_301 : vector<16xf32>
    %add3A_309 = arith.addf %add3A_305, %mul3A_308 : vector<16xf32>
    %get3A_310 = arith.constant 0 : i32
    %get3A_311 = arith.index_cast %get3A_310 : i32 to index
    %get3A_312 = arith.constant 96 : index
    %get3A_313 = tpu.vector_load %arg8[%get3A_311, %get3A_312] {strides = array<i32>} : memref<2x128xf32, #tpu.memory_space<vmem>>, vector<16xf32>,
    %get3A_314 = arith.constant 0 : i32
    %get3A_315 = arith.index_cast %get3A_314 : i32 to index
    %get3A_316 = arith.constant 112 : index
    %get3A_317 = tpu.vector_load %arg8[%get3A_315, %get3A_316] {strides = array<i32>} : memref<2x128xf32, #tpu.memory_space<vmem>>, vector<16xf32>,
    %get3A_318 = arith.constant 480 : index
    %get3A_319 = tpu.vector_load %arg9[%get3A_318] {strides = array<i32>} : memref<1024xf32, #tpu.memory_space<vmem>>, vector<16xf32>,
    %mul3A_320 = arith.mulf %get3A_319, %get3A_313 : vector<16xf32>
    %add3A_321 = arith.addf %add3A_309, %mul3A_320 : vector<16xf32>
    %get3A_322 = arith.constant 496 : index
    %get3A_323 = tpu.vector_load %arg9[%get3A_322] {strides = array<i32>} : memref<1024xf32, #tpu.memory_space<vmem>>, vector<16xf32>,
    %mul3A_324 = arith.mulf %get3A_323, %get3A_317 : vector<16xf32>
    %add3A_325 = arith.addf %add3A_321, %mul3A_324 : vector<16xf32>
    %mul3A_326 = arith.mulf %gather3A_259, %add3A_325 : vector<16xf32>
    %add3A_327 = arith.addf %add3A_253, %mul3A_326 : vector<16xf32>
    %mul3A_328 = arith.constant 8 : i32
    %mul3A_329 = arith.muli %arg1, %mul3A_328 : i32
    %add3A_330 = arith.constant 4 : i32
    %add3A_331 = arith.addi %mul3A_329, %add3A_330 : i32
    %broadcast_in_dim3A_332 = vector.broadcast %add3A_331 : i32 to vector<16xi32>
    %gather3A_333 = tpu.vector_load_idx %arg8[%add3A_30, %broadcast_in_dim3A_332] : memref<2x128xf32, #tpu.memory_space<vmem>>[vector<16xi32>, vector<16xi32>], vector<16xf32>,
    %broadcast_in_dim3A_334 = arith.constant 0.000000e+00 : f32
    %broadcast_in_dim3A_335 = vector.broadcast %broadcast_in_dim3A_334 : f32 to vector<16xf32>
    %get3A_336 = arith.constant 0 : i32
    %get3A_337 = arith.index_cast %get3A_336 : i32 to index
    %get3A_338 = arith.constant 0 : index
    %get3A_339 = tpu.vector_load %arg8[%get3A_337, %get3A_338] {strides = array<i32>} : memref<2x128xf32, #tpu.memory_space<vmem>>, vector<16xf32>,
    %get3A_340 = arith.constant 0 : i32
    %get3A_341 = arith.index_cast %get3A_340 : i32 to index
    %get3A_342 = arith.constant 16 : index
    %get3A_343 = tpu.vector_load %arg8[%get3A_341, %get3A_342] {strides = array<i32>} : memref<2x128xf32, #tpu.memory_space<vmem>>, vector<16xf32>,
    %get3A_344 = arith.constant 512 : index
    %get3A_345 = tpu.vector_load %arg9[%get3A_344] {strides = array<i32>} : memref<1024xf32, #tpu.memory_space<vmem>>, vector<16xf32>,
    %mul3A_346 = arith.mulf %get3A_345, %get3A_339 : vector<16xf32>
    %add3A_347 = arith.addf %broadcast_in_dim3A_335, %mul3A_346 : vector<16xf32>
    %get3A_348 = arith.constant 528 : index
    %get3A_349 = tpu.vector_load %arg9[%get3A_348] {strides = array<i32>} : memref<1024xf32, #tpu.memory_space<vmem>>, vector<16xf32>,
    %mul3A_350 = arith.mulf %get3A_349, %get3A_343 : vector<16xf32>
    %add3A_351 = arith.addf %add3A_347, %mul3A_350 : vector<16xf32>
    %get3A_352 = arith.constant 0 : i32
    %get3A_353 = arith.index_cast %get3A_352 : i32 to index
    %get3A_354 = arith.constant 32 : index
    %get3A_355 = tpu.vector_load %arg8[%get3A_353, %get3A_354] {strides = array<i32>} : memref<2x128xf32, #tpu.memory_space<vmem>>, vector<16xf32>,
    %get3A_356 = arith.constant 0 : i32
    %get3A_357 = arith.index_cast %get3A_356 : i32 to index
    %get3A_358 = arith.constant 48 : index
    %get3A_359 = tpu.vector_load %arg8[%get3A_357, %get3A_358] {strides = array<i32>} : memref<2x128xf32, #tpu.memory_space<vmem>>, vector<16xf32>,
    %get3A_360 = arith.constant 544 : index
    %get3A_361 = tpu.vector_load %arg9[%get3A_360] {strides = array<i32>} : memref<1024xf32, #tpu.memory_space<vmem>>, vector<16xf32>,
    %mul3A_362 = arith.mulf %get3A_361, %get3A_355 : vector<16xf32>
    %add3A_363 = arith.addf %add3A_351, %mul3A_362 : vector<16xf32>
    %get3A_364 = arith.constant 560 : index
    %get3A_365 = tpu.vector_load %arg9[%get3A_364] {strides = array<i32>} : memref<1024xf32, #tpu.memory_space<vmem>>, vector<16xf32>,
    %mul3A_366 = arith.mulf %get3A_365, %get3A_359 : vector<16xf32>
    %add3A_367 = arith.addf %add3A_363, %mul3A_366 : vector<16xf32>
    %get3A_368 = arith.constant 0 : i32
    %get3A_369 = arith.index_cast %get3A_368 : i32 to index
    %get3A_370 = arith.constant 64 : index
    %get3A_371 = tpu.vector_load %arg8[%get3A_369, %get3A_370] {strides = array<i32>} : memref<2x128xf32, #tpu.memory_space<vmem>>, vector<16xf32>,
    %get3A_372 = arith.constant 0 : i32
    %get3A_373 = arith.index_cast %get3A_372 : i32 to index
    %get3A_374 = arith.constant 80 : index
    %get3A_375 = tpu.vector_load %arg8[%get3A_373, %get3A_374] {strides = array<i32>} : memref<2x128xf32, #tpu.memory_space<vmem>>, vector<16xf32>,
    %get3A_376 = arith.constant 576 : index
    %get3A_377 = tpu.vector_load %arg9[%get3A_376] {strides = array<i32>} : memref<1024xf32, #tpu.memory_space<vmem>>, vector<16xf32>,
    %mul3A_378 = arith.mulf %get3A_377, %get3A_371 : vector<16xf32>
    %add3A_379 = arith.addf %add3A_367, %mul3A_378 : vector<16xf32>
    %get3A_380 = arith.constant 592 : index
    %get3A_381 = tpu.vector_load %arg9[%get3A_380] {strides = array<i32>} : memref<1024xf32, #tpu.memory_space<vmem>>, vector<16xf32>,
    %mul3A_382 = arith.mulf %get3A_381, %get3A_375 : vector<16xf32>
    %add3A_383 = arith.addf %add3A_379, %mul3A_382 : vector<16xf32>
    %get3A_384 = arith.constant 0 : i32
    %get3A_385 = arith.index_cast %get3A_384 : i32 to index
    %get3A_386 = arith.constant 96 : index
    %get3A_387 = tpu.vector_load %arg8[%get3A_385, %get3A_386] {strides = array<i32>} : memref<2x128xf32, #tpu.memory_space<vmem>>, vector<16xf32>,
    %get3A_388 = arith.constant 0 : i32
    %get3A_389 = arith.index_cast %get3A_388 : i32 to index
    %get3A_390 = arith.constant 112 : index
    %get3A_391 = tpu.vector_load %arg8[%get3A_389, %get3A_390] {strides = array<i32>} : memref<2x128xf32, #tpu.memory_space<vmem>>, vector<16xf32>,
    %get3A_392 = arith.constant 608 : index
    %get3A_393 = tpu.vector_load %arg9[%get3A_392] {strides = array<i32>} : memref<1024xf32, #tpu.memory_space<vmem>>, vector<16xf32>,
    %mul3A_394 = arith.mulf %get3A_393, %get3A_387 : vector<16xf32>
    %add3A_395 = arith.addf %add3A_383, %mul3A_394 : vector<16xf32>
    %get3A_396 = arith.constant 624 : index
    %get3A_397 = tpu.vector_load %arg9[%get3A_396] {strides = array<i32>} : memref<1024xf32, #tpu.memory_space<vmem>>, vector<16xf32>,
    %mul3A_398 = arith.mulf %get3A_397, %get3A_391 : vector<16xf32>
    %add3A_399 = arith.addf %add3A_395, %mul3A_398 : vector<16xf32>
    %mul3A_400 = arith.mulf %gather3A_333, %add3A_399 : vector<16xf32>
    %add3A_401 = arith.addf %add3A_327, %mul3A_400 : vector<16xf32>
    %mul3A_402 = arith.constant 8 : i32
    %mul3A_403 = arith.muli %arg1, %mul3A_402 : i32
    %add3A_404 = arith.constant 5 : i32
    %add3A_405 = arith.addi %mul3A_403, %add3A_404 : i32
    %broadcast_in_dim3A_406 = vector.broadcast %add3A_405 : i32 to vector<16xi32>
    %gather3A_407 = tpu.vector_load_idx %arg8[%add3A_30, %broadcast_in_dim3A_406] : memref<2x128xf32, #tpu.memory_space<vmem>>[vector<16xi32>, vector<16xi32>], vector<16xf32>,
    %broadcast_in_dim3A_408 = arith.constant 0.000000e+00 : f32
    %broadcast_in_dim3A_409 = vector.broadcast %broadcast_in_dim3A_408 : f32 to vector<16xf32>
    %get3A_410 = arith.constant 0 : i32
    %get3A_411 = arith.index_cast %get3A_410 : i32 to index
    %get3A_412 = arith.constant 0 : index
    %get3A_413 = tpu.vector_load %arg8[%get3A_411, %get3A_412] {strides = array<i32>} : memref<2x128xf32, #tpu.memory_space<vmem>>, vector<16xf32>,
    %get3A_414 = arith.constant 0 : i32
    %get3A_415 = arith.index_cast %get3A_414 : i32 to index
    %get3A_416 = arith.constant 16 : index
    %get3A_417 = tpu.vector_load %arg8[%get3A_415, %get3A_416] {strides = array<i32>} : memref<2x128xf32, #tpu.memory_space<vmem>>, vector<16xf32>,
    %get3A_418 = arith.constant 640 : index
    %get3A_419 = tpu.vector_load %arg9[%get3A_418] {strides = array<i32>} : memref<1024xf32, #tpu.memory_space<vmem>>, vector<16xf32>,
    %mul3A_420 = arith.mulf %get3A_419, %get3A_413 : vector<16xf32>
    %add3A_421 = arith.addf %broadcast_in_dim3A_409, %mul3A_420 : vector<16xf32>
    %get3A_422 = arith.constant 656 : index
    %get3A_423 = tpu.vector_load %arg9[%get3A_422] {strides = array<i32>} : memref<1024xf32, #tpu.memory_space<vmem>>, vector<16xf32>,
    %mul3A_424 = arith.mulf %get3A_423, %get3A_417 : vector<16xf32>
    %add3A_425 = arith.addf %add3A_421, %mul3A_424 : vector<16xf32>
    %get3A_426 = arith.constant 0 : i32
    %get3A_427 = arith.index_cast %get3A_426 : i32 to index
    %get3A_428 = arith.constant 32 : index
    %get3A_429 = tpu.vector_load %arg8[%get3A_427, %get3A_428] {strides = array<i32>} : memref<2x128xf32, #tpu.memory_space<vmem>>, vector<16xf32>,
    %get3A_430 = arith.constant 0 : i32
    %get3A_431 = arith.index_cast %get3A_430 : i32 to index
    %get3A_432 = arith.constant 48 : index
    %get3A_433 = tpu.vector_load %arg8[%get3A_431, %get3A_432] {strides = array<i32>} : memref<2x128xf32, #tpu.memory_space<vmem>>, vector<16xf32>,
    %get3A_434 = arith.constant 672 : index
    %get3A_435 = tpu.vector_load %arg9[%get3A_434] {strides = array<i32>} : memref<1024xf32, #tpu.memory_space<vmem>>, vector<16xf32>,
    %mul3A_436 = arith.mulf %get3A_435, %get3A_429 : vector<16xf32>
    %add3A_437 = arith.addf %add3A_425, %mul3A_436 : vector<16xf32>
    %get3A_438 = arith.constant 688 : index
    %get3A_439 = tpu.vector_load %arg9[%get3A_438] {strides = array<i32>} : memref<1024xf32, #tpu.memory_space<vmem>>, vector<16xf32>,
    %mul3A_440 = arith.mulf %get3A_439, %get3A_433 : vector<16xf32>
    %add3A_441 = arith.addf %add3A_437, %mul3A_440 : vector<16xf32>
    %get3A_442 = arith.constant 0 : i32
    %get3A_443 = arith.index_cast %get3A_442 : i32 to index
    %get3A_444 = arith.constant 64 : index
    %get3A_445 = tpu.vector_load %arg8[%get3A_443, %get3A_444] {strides = array<i32>} : memref<2x128xf32, #tpu.memory_space<vmem>>, vector<16xf32>,
    %get3A_446 = arith.constant 0 : i32
    %get3A_447 = arith.index_cast %get3A_446 : i32 to index
    %get3A_448 = arith.constant 80 : index
    %get3A_449 = tpu.vector_load %arg8[%get3A_447, %get3A_448] {strides = array<i32>} : memref<2x128xf32, #tpu.memory_space<vmem>>, vector<16xf32>,
    %get3A_450 = arith.constant 704 : index
    %get3A_451 = tpu.vector_load %arg9[%get3A_450] {strides = array<i32>} : memref<1024xf32, #tpu.memory_space<vmem>>, vector<16xf32>,
    %mul3A_452 = arith.mulf %get3A_451, %get3A_445 : vector<16xf32>
    %add3A_453 = arith.addf %add3A_441, %mul3A_452 : vector<16xf32>
    %get3A_454 = arith.constant 720 : index
    %get3A_455 = tpu.vector_load %arg9[%get3A_454] {strides = array<i32>} : memref<1024xf32, #tpu.memory_space<vmem>>, vector<16xf32>,
    %mul3A_456 = arith.mulf %get3A_455, %get3A_449 : vector<16xf32>
    %add3A_457 = arith.addf %add3A_453, %mul3A_456 : vector<16xf32>
    %get3A_458 = arith.constant 0 : i32
    %get3A_459 = arith.index_cast %get3A_458 : i32 to index
    %get3A_460 = arith.constant 96 : index
    %get3A_461 = tpu.vector_load %arg8[%get3A_459, %get3A_460] {strides = array<i32>} : memref<2x128xf32, #tpu.memory_space<vmem>>, vector<16xf32>,
    %get3A_462 = arith.constant 0 : i32
    %get3A_463 = arith.index_cast %get3A_462 : i32 to index
    %get3A_464 = arith.constant 112 : index
    %get3A_465 = tpu.vector_load %arg8[%get3A_463, %get3A_464] {strides = array<i32>} : memref<2x128xf32, #tpu.memory_space<vmem>>, vector<16xf32>,
    %get3A_466 = arith.constant 736 : index
    %get3A_467 = tpu.vector_load %arg9[%get3A_466] {strides = array<i32>} : memref<1024xf32, #tpu.memory_space<vmem>>, vector<16xf32>,
    %mul3A_468 = arith.mulf %get3A_467, %get3A_461 : vector<16xf32>
    %add3A_469 = arith.addf %add3A_457, %mul3A_468 : vector<16xf32>
    %get3A_470 = arith.constant 752 : index
    %get3A_471 = tpu.vector_load %arg9[%get3A_470] {strides = array<i32>} : memref<1024xf32, #tpu.memory_space<vmem>>, vector<16xf32>,
    %mul3A_472 = arith.mulf %get3A_471, %get3A_465 : vector<16xf32>
    %add3A_473 = arith.addf %add3A_469, %mul3A_472 : vector<16xf32>
    %mul3A_474 = arith.mulf %gather3A_407, %add3A_473 : vector<16xf32>
    %add3A_475 = arith.addf %add3A_401, %mul3A_474 : vector<16xf32>
    %mul3A_476 = arith.constant 8 : i32
    %mul3A_477 = arith.muli %arg1, %mul3A_476 : i32
    %add3A_478 = arith.constant 6 : i32
    %add3A_479 = arith.addi %mul3A_477, %add3A_478 : i32
    %broadcast_in_dim3A_480 = vector.broadcast %add3A_479 : i32 to vector<16xi32>
    %gather3A_481 = tpu.vector_load_idx %arg8[%add3A_30, %broadcast_in_dim3A_480] : memref<2x128xf32, #tpu.memory_space<vmem>>[vector<16xi32>, vector<16xi32>], vector<16xf32>,
    %broadcast_in_dim3A_482 = arith.constant 0.000000e+00 : f32
    %broadcast_in_dim3A_483 = vector.broadcast %broadcast_in_dim3A_482 : f32 to vector<16xf32>
    %get3A_484 = arith.constant 0 : i32
    %get3A_485 = arith.index_cast %get3A_484 : i32 to index
    %get3A_486 = arith.constant 0 : index
    %get3A_487 = tpu.vector_load %arg8[%get3A_485, %get3A_486] {strides = array<i32>} : memref<2x128xf32, #tpu.memory_space<vmem>>, vector<16xf32>,
    %get3A_488 = arith.constant 0 : i32
    %get3A_489 = arith.index_cast %get3A_488 : i32 to index
    %get3A_490 = arith.constant 16 : index
    %get3A_491 = tpu.vector_load %arg8[%get3A_489, %get3A_490] {strides = array<i32>} : memref<2x128xf32, #tpu.memory_space<vmem>>, vector<16xf32>,
    %get3A_492 = arith.constant 768 : index
    %get3A_493 = tpu.vector_load %arg9[%get3A_492] {strides = array<i32>} : memref<1024xf32, #tpu.memory_space<vmem>>, vector<16xf32>,
    %mul3A_494 = arith.mulf %get3A_493, %get3A_487 : vector<16xf32>
    %add3A_495 = arith.addf %broadcast_in_dim3A_483, %mul3A_494 : vector<16xf32>
    %get3A_496 = arith.constant 784 : index
    %get3A_497 = tpu.vector_load %arg9[%get3A_496] {strides = array<i32>} : memref<1024xf32, #tpu.memory_space<vmem>>, vector<16xf32>,
    %mul3A_498 = arith.mulf %get3A_497, %get3A_491 : vector<16xf32>
    %add3A_499 = arith.addf %add3A_495, %mul3A_498 : vector<16xf32>
    %get3A_500 = arith.constant 0 : i32
    %get3A_501 = arith.index_cast %get3A_500 : i32 to index
    %get3A_502 = arith.constant 32 : index
    %get3A_503 = tpu.vector_load %arg8[%get3A_501, %get3A_502] {strides = array<i32>} : memref<2x128xf32, #tpu.memory_space<vmem>>, vector<16xf32>,
    %get3A_504 = arith.constant 0 : i32
    %get3A_505 = arith.index_cast %get3A_504 : i32 to index
    %get3A_506 = arith.constant 48 : index
    %get3A_507 = tpu.vector_load %arg8[%get3A_505, %get3A_506] {strides = array<i32>} : memref<2x128xf32, #tpu.memory_space<vmem>>, vector<16xf32>,
    %get3A_508 = arith.constant 800 : index
    %get3A_509 = tpu.vector_load %arg9[%get3A_508] {strides = array<i32>} : memref<1024xf32, #tpu.memory_space<vmem>>, vector<16xf32>,
    %mul3A_510 = arith.mulf %get3A_509, %get3A_503 : vector<16xf32>
    %add3A_511 = arith.addf %add3A_499, %mul3A_510 : vector<16xf32>
    %get3A_512 = arith.constant 816 : index
    %get3A_513 = tpu.vector_load %arg9[%get3A_512] {strides = array<i32>} : memref<1024xf32, #tpu.memory_space<vmem>>, vector<16xf32>,
    %mul3A_514 = arith.mulf %get3A_513, %get3A_507 : vector<16xf32>
    %add3A_515 = arith.addf %add3A_511, %mul3A_514 : vector<16xf32>
    %get3A_516 = arith.constant 0 : i32
    %get3A_517 = arith.index_cast %get3A_516 : i32 to index
    %get3A_518 = arith.constant 64 : index
    %get3A_519 = tpu.vector_load %arg8[%get3A_517, %get3A_518] {strides = array<i32>} : memref<2x128xf32, #tpu.memory_space<vmem>>, vector<16xf32>,
    %get3A_520 = arith.constant 0 : i32
    %get3A_521 = arith.index_cast %get3A_520 : i32 to index
    %get3A_522 = arith.constant 80 : index
    %get3A_523 = tpu.vector_load %arg8[%get3A_521, %get3A_522] {strides = array<i32>} : memref<2x128xf32, #tpu.memory_space<vmem>>, vector<16xf32>,
    %get3A_524 = arith.constant 832 : index
    %get3A_525 = tpu.vector_load %arg9[%get3A_524] {strides = array<i32>} : memref<1024xf32, #tpu.memory_space<vmem>>, vector<16xf32>,
    %mul3A_526 = arith.mulf %get3A_525, %get3A_519 : vector<16xf32>
    %add3A_527 = arith.addf %add3A_515, %mul3A_526 : vector<16xf32>
    %get3A_528 = arith.constant 848 : index
    %get3A_529 = tpu.vector_load %arg9[%get3A_528] {strides = array<i32>} : memref<1024xf32, #tpu.memory_space<vmem>>, vector<16xf32>,
    %mul3A_530 = arith.mulf %get3A_529, %get3A_523 : vector<16xf32>
    %add3A_531 = arith.addf %add3A_527, %mul3A_530 : vector<16xf32>
    %get3A_532 = arith.constant 0 : i32
    %get3A_533 = arith.index_cast %get3A_532 : i32 to index
    %get3A_534 = arith.constant 96 : index
    %get3A_535 = tpu.vector_load %arg8[%get3A_533, %get3A_534] {strides = array<i32>} : memref<2x128xf32, #tpu.memory_space<vmem>>, vector<16xf32>,
    %get3A_536 = arith.constant 0 : i32
    %get3A_537 = arith.index_cast %get3A_536 : i32 to index
    %get3A_538 = arith.constant 112 : index
    %get3A_539 = tpu.vector_load %arg8[%get3A_537, %get3A_538] {strides = array<i32>} : memref<2x128xf32, #tpu.memory_space<vmem>>, vector<16xf32>,
    %get3A_540 = arith.constant 864 : index
    %get3A_541 = tpu.vector_load %arg9[%get3A_540] {strides = array<i32>} : memref<1024xf32, #tpu.memory_space<vmem>>, vector<16xf32>,
    %mul3A_542 = arith.mulf %get3A_541, %get3A_535 : vector<16xf32>
    %add3A_543 = arith.addf %add3A_531, %mul3A_542 : vector<16xf32>
    %get3A_544 = arith.constant 880 : index
    %get3A_545 = tpu.vector_load %arg9[%get3A_544] {strides = array<i32>} : memref<1024xf32, #tpu.memory_space<vmem>>, vector<16xf32>,
    %mul3A_546 = arith.mulf %get3A_545, %get3A_539 : vector<16xf32>
    %add3A_547 = arith.addf %add3A_543, %mul3A_546 : vector<16xf32>
    %mul3A_548 = arith.mulf %gather3A_481, %add3A_547 : vector<16xf32>
    %add3A_549 = arith.addf %add3A_475, %mul3A_548 : vector<16xf32>
    %mul3A_550 = arith.constant 8 : i32
    %mul3A_551 = arith.muli %arg1, %mul3A_550 : i32
    %add3A_552 = arith.constant 7 : i32
    %add3A_553 = arith.addi %mul3A_551, %add3A_552 : i32
    %broadcast_in_dim3A_554 = vector.broadcast %add3A_553 : i32 to vector<16xi32>
    %gather3A_555 = tpu.vector_load_idx %arg8[%add3A_30, %broadcast_in_dim3A_554] : memref<2x128xf32, #tpu.memory_space<vmem>>[vector<16xi32>, vector<16xi32>], vector<16xf32>,
    %broadcast_in_dim3A_556 = arith.constant 0.000000e+00 : f32
    %broadcast_in_dim3A_557 = vector.broadcast %broadcast_in_dim3A_556 : f32 to vector<16xf32>
    %get3A_558 = arith.constant 0 : i32
    %get3A_559 = arith.index_cast %get3A_558 : i32 to index
    %get3A_560 = arith.constant 0 : index
    %get3A_561 = tpu.vector_load %arg8[%get3A_559, %get3A_560] {strides = array<i32>} : memref<2x128xf32, #tpu.memory_space<vmem>>, vector<16xf32>,
    %get3A_562 = arith.constant 0 : i32
    %get3A_563 = arith.index_cast %get3A_562 : i32 to index
    %get3A_564 = arith.constant 16 : index
    %get3A_565 = tpu.vector_load %arg8[%get3A_563, %get3A_564] {strides = array<i32>} : memref<2x128xf32, #tpu.memory_space<vmem>>, vector<16xf32>,
    %get3A_566 = arith.constant 896 : index
    %get3A_567 = tpu.vector_load %arg9[%get3A_566] {strides = array<i32>} : memref<1024xf32, #tpu.memory_space<vmem>>, vector<16xf32>,
    %mul3A_568 = arith.mulf %get3A_567, %get3A_561 : vector<16xf32>
    %add3A_569 = arith.addf %broadcast_in_dim3A_557, %mul3A_568 : vector<16xf32>
    %get3A_570 = arith.constant 912 : index
    %get3A_571 = tpu.vector_load %arg9[%get3A_570] {strides = array<i32>} : memref<1024xf32, #tpu.memory_space<vmem>>, vector<16xf32>,
    %mul3A_572 = arith.mulf %get3A_571, %get3A_565 : vector<16xf32>
    %add3A_573 = arith.addf %add3A_569, %mul3A_572 : vector<16xf32>
    %get3A_574 = arith.constant 0 : i32
    %get3A_575 = arith.index_cast %get3A_574 : i32 to index
    %get3A_576 = arith.constant 32 : index
    %get3A_577 = tpu.vector_load %arg8[%get3A_575, %get3A_576] {strides = array<i32>} : memref<2x128xf32, #tpu.memory_space<vmem>>, vector<16xf32>,
    %get3A_578 = arith.constant 0 : i32
    %get3A_579 = arith.index_cast %get3A_578 : i32 to index
    %get3A_580 = arith.constant 48 : index
    %get3A_581 = tpu.vector_load %arg8[%get3A_579, %get3A_580] {strides = array<i32>} : memref<2x128xf32, #tpu.memory_space<vmem>>, vector<16xf32>,
    %get3A_582 = arith.constant 928 : index
    %get3A_583 = tpu.vector_load %arg9[%get3A_582] {strides = array<i32>} : memref<1024xf32, #tpu.memory_space<vmem>>, vector<16xf32>,
    %mul3A_584 = arith.mulf %get3A_583, %get3A_577 : vector<16xf32>
    %add3A_585 = arith.addf %add3A_573, %mul3A_584 : vector<16xf32>
    %get3A_586 = arith.constant 944 : index
    %get3A_587 = tpu.vector_load %arg9[%get3A_586] {strides = array<i32>} : memref<1024xf32, #tpu.memory_space<vmem>>, vector<16xf32>,
    %mul3A_588 = arith.mulf %get3A_587, %get3A_581 : vector<16xf32>
    %add3A_589 = arith.addf %add3A_585, %mul3A_588 : vector<16xf32>
    %get3A_590 = arith.constant 0 : i32
    %get3A_591 = arith.index_cast %get3A_590 : i32 to index
    %get3A_592 = arith.constant 64 : index
    %get3A_593 = tpu.vector_load %arg8[%get3A_591, %get3A_592] {strides = array<i32>} : memref<2x128xf32, #tpu.memory_space<vmem>>, vector<16xf32>,
    %get3A_594 = arith.constant 0 : i32
    %get3A_595 = arith.index_cast %get3A_594 : i32 to index
    %get3A_596 = arith.constant 80 : index
    %get3A_597 = tpu.vector_load %arg8[%get3A_595, %get3A_596] {strides = array<i32>} : memref<2x128xf32, #tpu.memory_space<vmem>>, vector<16xf32>,
    %get3A_598 = arith.constant 960 : index
    %get3A_599 = tpu.vector_load %arg9[%get3A_598] {strides = array<i32>} : memref<1024xf32, #tpu.memory_space<vmem>>, vector<16xf32>,
    %mul3A_600 = arith.mulf %get3A_599, %get3A_593 : vector<16xf32>
    %add3A_601 = arith.addf %add3A_589, %mul3A_600 : vector<16xf32>
    %get3A_602 = arith.constant 976 : index
    %get3A_603 = tpu.vector_load %arg9[%get3A_602] {strides = array<i32>} : memref<1024xf32, #tpu.memory_space<vmem>>, vector<16xf32>,
    %mul3A_604 = arith.mulf %get3A_603, %get3A_597 : vector<16xf32>
    %add3A_605 = arith.addf %add3A_601, %mul3A_604 : vector<16xf32>
    %get3A_606 = arith.constant 0 : i32
    %get3A_607 = arith.index_cast %get3A_606 : i32 to index
    %get3A_608 = arith.constant 96 : index
    %get3A_609 = tpu.vector_load %arg8[%get3A_607, %get3A_608] {strides = array<i32>} : memref<2x128xf32, #tpu.memory_space<vmem>>, vector<16xf32>,
    %get3A_610 = arith.constant 0 : i32
    %get3A_611 = arith.index_cast %get3A_610 : i32 to index
    %get3A_612 = arith.constant 112 : index
    %get3A_613 = tpu.vector_load %arg8[%get3A_611, %get3A_612] {strides = array<i32>} : memref<2x128xf32, #tpu.memory_space<vmem>>, vector<16xf32>,
    %get3A_614 = arith.constant 992 : index
    %get3A_615 = tpu.vector_load %arg9[%get3A_614] {strides = array<i32>} : memref<1024xf32, #tpu.memory_space<vmem>>, vector<16xf32>,
    %mul3A_616 = arith.mulf %get3A_615, %get3A_609 : vector<16xf32>
    %add3A_617 = arith.addf %add3A_605, %mul3A_616 : vector<16xf32>
    %get3A_618 = arith.constant 1008 : index
    %get3A_619 = tpu.vector_load %arg9[%get3A_618] {strides = array<i32>} : memref<1024xf32, #tpu.memory_space<vmem>>, vector<16xf32>,
    %mul3A_620 = arith.mulf %get3A_619, %get3A_613 : vector<16xf32>
    %add3A_621 = arith.addf %add3A_617, %mul3A_620 : vector<16xf32>
    %mul3A_622 = arith.mulf %gather3A_555, %add3A_621 : vector<16xf32>
    %add3A_623 = arith.addf %add3A_549, %mul3A_622 : vector<16xf32>
    %swap3A = arith.constant 0 : index
    %swap3A_624 = tpu.vector_load %arg10[%swap3A] {strides = array<i32>} : memref<16xf32, #tpu.memory_space<vmem>>, vector<16xf32>,
    tpu.vector_store %arg10[%swap3A], %add3A_623 {strides = array<i32>} : memref<16xf32, #tpu.memory_space<vmem>>, vector<16xf32>,
    "tpu.region"() ({
      %run_scoped3A = tpu.sem_alloc : memref<!tpu.dma_semaphore, #tpu.memory_space<semaphore_mem>>
      %dma_start3A_628 = arith.constant 0 : i32
      %dma_start3A_629 = tpu.memref_slice %arg12[%arg1, %dma_start3A_628] : memref<16x128xf32, #tpu.memory_space<vmem_shared>> -> memref<1x16xf32, #tpu.memory_space<vmem_shared>>
      %dma_start3A_630 = tpu.memref_squeeze %dma_start3A_629 : memref<1x16xf32, #tpu.memory_space<vmem_shared>> -> memref<16xf32, #tpu.memory_space<vmem_shared>>
      %dma_start3A_631 = arith.constant 0 : i32
      %dma_start3A_632 = tpu.memref_slice %arg12[%arg1, %dma_start3A_631] : memref<16x128xf32, #tpu.memory_space<vmem_shared>> -> memref<1x16xf32, #tpu.memory_space<vmem_shared>>
      %dma_start3A_633 = tpu.memref_squeeze %dma_start3A_632 : memref<1x16xf32, #tpu.memory_space<vmem_shared>> -> memref<16xf32, #tpu.memory_space<vmem_shared>>
      tpu.enqueue_dma source(%arg10 : memref<16xf32, #tpu.memory_space<vmem>>) target(%dma_start3A_633 : memref<16xf32, #tpu.memory_space<vmem_shared>>) target_semaphore(%run_scoped3A : memref<!tpu.dma_semaphore, #tpu.memory_space<semaphore_mem>>)
      %dma_wait3A_634 = arith.constant 0 : i32
      %dma_wait3A_635 = tpu.memref_slice %arg12[%arg1, %dma_wait3A_634] : memref<16x128xf32, #tpu.memory_space<vmem_shared>> -> memref<1x16xf32, #tpu.memory_space<vmem_shared>>
      %dma_wait3A_636 = tpu.memref_squeeze %dma_wait3A_635 : memref<1x16xf32, #tpu.memory_space<vmem_shared>> -> memref<16xf32, #tpu.memory_space<vmem_shared>>
      %dma_wait3A_637 = arith.constant 0 : i32
      %dma_wait3A_638 = tpu.memref_slice %arg12[%arg1, %dma_wait3A_637] : memref<16x128xf32, #tpu.memory_space<vmem_shared>> -> memref<1x16xf32, #tpu.memory_space<vmem_shared>>
      %dma_wait3A_639 = tpu.memref_squeeze %dma_wait3A_638 : memref<1x16xf32, #tpu.memory_space<vmem_shared>> -> memref<16xf32, #tpu.memory_space<vmem_shared>>
      tpu.wait_dma2 semaphore(%run_scoped3A : memref<!tpu.dma_semaphore, #tpu.memory_space<semaphore_mem>>) src(%arg10 : memref<16xf32, #tpu.memory_space<vmem>>) dst(%dma_wait3A_639 : memref<16xf32, #tpu.memory_space<vmem_shared>>)
      tpu.yield
    }) : () -> ()
    %barrier3A = arith.constant 0 : index
    tpu.barrier barrier_id(%barrier3A)
    %eq3A = arith.constant 0 : i32
    %eq3A_625 = arith.cmpi eq, %arg1, %eq3A : i32
    %convert_element_type3A_626 = arith.extui %eq3A_625 : i1 to i32
    %cond3A = arith.constant 0 : i32
    %cond3A_627 = arith.cmpi ne, %convert_element_type3A_626, %cond3A : i32
    scf.if %cond3A_627 {
      "tpu.region"() ({
        %run_scoped3A = tpu.sem_alloc : memref<!tpu.dma_semaphore, #tpu.memory_space<semaphore_mem>>
        tpu.enqueue_dma source(%arg12 : memref<16x128xf32, #tpu.memory_space<vmem_shared>>) target(%arg13 : memref<16x128xf32, #tpu.memory_space<vmem>>) target_semaphore(%run_scoped3A : memref<!tpu.dma_semaphore, #tpu.memory_space<semaphore_mem>>)
        tpu.wait_dma2 semaphore(%run_scoped3A : memref<!tpu.dma_semaphore, #tpu.memory_space<semaphore_mem>>) src(%arg12 : memref<16x128xf32, #tpu.memory_space<vmem_shared>>) dst(%arg13 : memref<16x128xf32, #tpu.memory_space<vmem>>)
        tpu.yield
      }) : () -> ()
      %get3A_628 = arith.constant 0 : i32
      %get3A_629 = arith.index_cast %get3A_628 : i32 to index
      %get3A_630 = arith.constant 0 : index
      %get3A_631 = tpu.vector_load %arg13[%get3A_629, %get3A_630] {strides = array<i32>} : memref<16x128xf32, #tpu.memory_space<vmem>>, vector<16xf32>,
      %get3A_632 = arith.constant 1 : i32
      %get3A_633 = arith.index_cast %get3A_632 : i32 to index
      %get3A_634 = arith.constant 0 : index
      %get3A_635 = tpu.vector_load %arg13[%get3A_633, %get3A_634] {strides = array<i32>} : memref<16x128xf32, #tpu.memory_space<vmem>>, vector<16xf32>,
      %add3A_636 = arith.addf %get3A_631, %get3A_635 : vector<16xf32>
      %get3A_637 = arith.constant 2 : i32
      %get3A_638 = arith.index_cast %get3A_637 : i32 to index
      %get3A_639 = arith.constant 0 : index
      %get3A_640 = tpu.vector_load %arg13[%get3A_638, %get3A_639] {strides = array<i32>} : memref<16x128xf32, #tpu.memory_space<vmem>>, vector<16xf32>,
      %add3A_641 = arith.addf %add3A_636, %get3A_640 : vector<16xf32>
      %get3A_642 = arith.constant 3 : i32
      %get3A_643 = arith.index_cast %get3A_642 : i32 to index
      %get3A_644 = arith.constant 0 : index
      %get3A_645 = tpu.vector_load %arg13[%get3A_643, %get3A_644] {strides = array<i32>} : memref<16x128xf32, #tpu.memory_space<vmem>>, vector<16xf32>,
      %add3A_646 = arith.addf %add3A_641, %get3A_645 : vector<16xf32>
      %get3A_647 = arith.constant 4 : i32
      %get3A_648 = arith.index_cast %get3A_647 : i32 to index
      %get3A_649 = arith.constant 0 : index
      %get3A_650 = tpu.vector_load %arg13[%get3A_648, %get3A_649] {strides = array<i32>} : memref<16x128xf32, #tpu.memory_space<vmem>>, vector<16xf32>,
      %add3A_651 = arith.addf %add3A_646, %get3A_650 : vector<16xf32>
      %get3A_652 = arith.constant 5 : i32
      %get3A_653 = arith.index_cast %get3A_652 : i32 to index
      %get3A_654 = arith.constant 0 : index
      %get3A_655 = tpu.vector_load %arg13[%get3A_653, %get3A_654] {strides = array<i32>} : memref<16x128xf32, #tpu.memory_space<vmem>>, vector<16xf32>,
      %add3A_656 = arith.addf %add3A_651, %get3A_655 : vector<16xf32>
      %get3A_657 = arith.constant 6 : i32
      %get3A_658 = arith.index_cast %get3A_657 : i32 to index
      %get3A_659 = arith.constant 0 : index
      %get3A_660 = tpu.vector_load %arg13[%get3A_658, %get3A_659] {strides = array<i32>} : memref<16x128xf32, #tpu.memory_space<vmem>>, vector<16xf32>,
      %add3A_661 = arith.addf %add3A_656, %get3A_660 : vector<16xf32>
      %get3A_662 = arith.constant 7 : i32
      %get3A_663 = arith.index_cast %get3A_662 : i32 to index
      %get3A_664 = arith.constant 0 : index
      %get3A_665 = tpu.vector_load %arg13[%get3A_663, %get3A_664] {strides = array<i32>} : memref<16x128xf32, #tpu.memory_space<vmem>>, vector<16xf32>,
      %add3A_666 = arith.addf %add3A_661, %get3A_665 : vector<16xf32>
      %get3A_667 = arith.constant 8 : i32
      %get3A_668 = arith.index_cast %get3A_667 : i32 to index
      %get3A_669 = arith.constant 0 : index
      %get3A_670 = tpu.vector_load %arg13[%get3A_668, %get3A_669] {strides = array<i32>} : memref<16x128xf32, #tpu.memory_space<vmem>>, vector<16xf32>,
      %add3A_671 = arith.addf %add3A_666, %get3A_670 : vector<16xf32>
      %get3A_672 = arith.constant 9 : i32
      %get3A_673 = arith.index_cast %get3A_672 : i32 to index
      %get3A_674 = arith.constant 0 : index
      %get3A_675 = tpu.vector_load %arg13[%get3A_673, %get3A_674] {strides = array<i32>} : memref<16x128xf32, #tpu.memory_space<vmem>>, vector<16xf32>,
      %add3A_676 = arith.addf %add3A_671, %get3A_675 : vector<16xf32>
      %get3A_677 = arith.constant 10 : i32
      %get3A_678 = arith.index_cast %get3A_677 : i32 to index
      %get3A_679 = arith.constant 0 : index
      %get3A_680 = tpu.vector_load %arg13[%get3A_678, %get3A_679] {strides = array<i32>} : memref<16x128xf32, #tpu.memory_space<vmem>>, vector<16xf32>,
      %add3A_681 = arith.addf %add3A_676, %get3A_680 : vector<16xf32>
      %get3A_682 = arith.constant 11 : i32
      %get3A_683 = arith.index_cast %get3A_682 : i32 to index
      %get3A_684 = arith.constant 0 : index
      %get3A_685 = tpu.vector_load %arg13[%get3A_683, %get3A_684] {strides = array<i32>} : memref<16x128xf32, #tpu.memory_space<vmem>>, vector<16xf32>,
      %add3A_686 = arith.addf %add3A_681, %get3A_685 : vector<16xf32>
      %get3A_687 = arith.constant 12 : i32
      %get3A_688 = arith.index_cast %get3A_687 : i32 to index
      %get3A_689 = arith.constant 0 : index
      %get3A_690 = tpu.vector_load %arg13[%get3A_688, %get3A_689] {strides = array<i32>} : memref<16x128xf32, #tpu.memory_space<vmem>>, vector<16xf32>,
      %add3A_691 = arith.addf %add3A_686, %get3A_690 : vector<16xf32>
      %get3A_692 = arith.constant 13 : i32
      %get3A_693 = arith.index_cast %get3A_692 : i32 to index
      %get3A_694 = arith.constant 0 : index
      %get3A_695 = tpu.vector_load %arg13[%get3A_693, %get3A_694] {strides = array<i32>} : memref<16x128xf32, #tpu.memory_space<vmem>>, vector<16xf32>,
      %add3A_696 = arith.addf %add3A_691, %get3A_695 : vector<16xf32>
      %get3A_697 = arith.constant 14 : i32
      %get3A_698 = arith.index_cast %get3A_697 : i32 to index
      %get3A_699 = arith.constant 0 : index
      %get3A_700 = tpu.vector_load %arg13[%get3A_698, %get3A_699] {strides = array<i32>} : memref<16x128xf32, #tpu.memory_space<vmem>>, vector<16xf32>,
      %add3A_701 = arith.addf %add3A_696, %get3A_700 : vector<16xf32>
      %get3A_702 = arith.constant 15 : i32
      %get3A_703 = arith.index_cast %get3A_702 : i32 to index
      %get3A_704 = arith.constant 0 : index
      %get3A_705 = tpu.vector_load %arg13[%get3A_703, %get3A_704] {strides = array<i32>} : memref<16x128xf32, #tpu.memory_space<vmem>>, vector<16xf32>,
      %add3A_706 = arith.addf %add3A_701, %get3A_705 : vector<16xf32>
      %reduce_sum3A = arith.constant true
      %reduce_sum3A_707 = vector.broadcast %reduce_sum3A : i1 to vector<16xi1>
      %reduce_sum3A_708 = tpu.scan <sum>, %add3A_706 masked %reduce_sum3A_707 : vector<16xf32>, vector<16xi1> -> vector<16xf32>
      %reduce_sum3A_709 = vector.extract %reduce_sum3A_708[15] : f32 from vector<16xf32>
      %broadcast_in_dim3A_710 = vector.broadcast %reduce_sum3A_709 : f32 to vector<16xf32>
      %swap3A_711 = arith.constant 0 : index
      %swap3A_712 = tpu.vector_load %arg11[%swap3A_711] {strides = array<i32>} : memref<16xf32, #tpu.memory_space<vmem>>, vector<16xf32>,
      tpu.vector_store %arg11[%swap3A_711], %broadcast_in_dim3A_710 {strides = array<i32>} : memref<16xf32, #tpu.memory_space<vmem>>, vector<16xf32>,
      "tpu.region"() ({
        %run_scoped3A = tpu.sem_alloc : memref<!tpu.dma_semaphore, #tpu.memory_space<semaphore_mem>>
        %dma_start3A_713 = arith.constant 0 : i32
        %dma_start3A_714 = tpu.memref_slice %arg11[%dma_start3A_713] : memref<16xf32, #tpu.memory_space<vmem>> -> memref<1xf32, #tpu.memory_space<vmem>>
        %dma_start3A_715 = arith.constant 0 : i32
        %dma_start3A_716 = tpu.memref_slice %arg11[%dma_start3A_715] : memref<16xf32, #tpu.memory_space<vmem>> -> memref<1xf32, #tpu.memory_space<vmem>>
        tpu.enqueue_dma source(%dma_start3A_716 : memref<1xf32, #tpu.memory_space<vmem>>) target(%arg5 : memref<1xf32, #tpu.memory_space<hbm>>) target_semaphore(%run_scoped3A : memref<!tpu.dma_semaphore, #tpu.memory_space<semaphore_mem>>)
        %dma_wait3A_717 = arith.constant 0 : i32
        %dma_wait3A_718 = tpu.memref_slice %arg11[%dma_wait3A_717] : memref<16xf32, #tpu.memory_space<vmem>> -> memref<1xf32, #tpu.memory_space<vmem>>
        %dma_wait3A_719 = arith.constant 0 : i32
        %dma_wait3A_720 = tpu.memref_slice %arg11[%dma_wait3A_719] : memref<16xf32, #tpu.memory_space<vmem>> -> memref<1xf32, #tpu.memory_space<vmem>>
        tpu.wait_dma2 semaphore(%run_scoped3A : memref<!tpu.dma_semaphore, #tpu.memory_space<semaphore_mem>>) src(%dma_wait3A_720 : memref<1xf32, #tpu.memory_space<vmem>>) dst(%arg5 : memref<1xf32, #tpu.memory_space<hbm>>)
        tpu.yield
      }) : () -> ()
    } else {
    }
    return
  }
}

</mosaic_0001>

<sc_bundles>
// kernel: kernel.3.cloned.1.call-start
scs
__scs_entry_jumppad:
0x0: {  	(pc) =	sbr.rel $0x88, $3  }
0x1: {  	(tag) =	ssettag $0x0;
	lr =	simm.s32 $0x1  }
0x2: {  	[smem:$0x3F9E] =	sst lr;
	_ =	strace $0xD0000000  }
0x3: {  	_ = 	snop  }
0x4: {  	_ = 	snop  }
0x5: {  	_ = 	snop  }
0x6: {  	_ = 	snop  }
0x7: {  	_ = 	snop  }
__scs_overlays_trampoline_lowered:
0x8: {  	[smem:$0x3FAD] =	sst s0  }
0x9: {  	[smem:$0x3FAE] =	sst s1  }
0xa: {  	[smem:$0x3FAF] =	sst s2  }
0xb: {  	[smem:$0x3FB0] =	sst s3  }
0xc: {  	[smem:$0x3FB1] =	sst s4  }
0xd: {  	[smem:$0x3FB2] =	sst s5  }
0xe: {  	[smem:$0x3FB3] =	sst s6  }
0xf: {  	[smem:$0x3FB4] =	sst s7  }
0x10: {  	[smem:$0x3FB5] =	sst s8  }
0x11: {  	[smem:$0x3FB6] =	sst s9;
	s0 =	simm.s32 @!p0 $0x0  }
0x12: {  	s1 =	sld [smem:$0x3F9C];
	s0 =	simm.s32 @p0 $0x1  }
0x13: {  	[smem:$0x3FB7] =	sst s0;
	s0 =	simm.s32 @!p1 $0x0  }
0x14: {  	s2 =	sld [smem:$0x3F9B];
	s0 =	simm.s32 @p1 $0x1  }
0x15: {  	[smem:$0x3FB8] =	sst s0;
	s0 =	simm.s32 @!p2 $0x0  }
0x16: {  	s3 =	sld [smem:$0x3FDB];
	s0 =	simm.s32 @p2 $0x1  }
0x17: {  	s4 =	simm.s32 $0x1BF5;
	[smem:$0x3FBA] =	sst s0  }
0x18: {  	s0 =	sld [smem:$0x3F9D];
	_ =	swait.ge [sflag:s4], $0x0  }
0x19: {  	s7 =	sld [smem:$0x3F9E]  }
0x1a: {  	s8 =	sadd.s32 $0xFFFFE003, lr  }
0x1b: {  	s9 =	sadd.s32 $0xFFFFFEF7, lr;
	s5 =	simm.s32 $0xFFFFFFFF;
	p2 =	slt.u32 s8, $0xFFFFF086  }
0x1c: {  	p1 =	slt.u32 s9, $0xF7A;
	s5 =	simm.s32 @!p2 $0x0  }
0x1d: {  	s5 =	simm.s32 @p1 $0x1;
	p0 =	seq.s32 s7, s2  }
0x1e: {  	s7 =	smul.u32 @!p0 $0xF7A, s2;
	p2 =	seq.s32 @!p0 s5, $0x0  }
0x1f: {  	s9 =	smul.u32 $0xF7A, s1;
	s8 =	simm.s32 @!p0 $0x1BF5;
	p2 =	por !p2, p0  }
0x20: {  	[sflag:s8] =	ssyncset.s32 @!p0 $0xFFFFF086;
	s6 =	sadd.s32 @!p0 s3, s7;
	s7 =	simm.s32 @!p0 $0x108  }
0x21: {  	s3 =	sadd.s32 s3, s9;
	s6 =	sadd.s32 @!p0 $0x88, s6;
	s7 =	simm.s32 @p2 $0x1082  }
0x22: {  	[simem:s7], [sflag:s8] =	dma.local @!p0 [hbm:s6], $0xF7A  }
0x23: {  	s9 =	sor.u32 $0xD0000000, s2;
	s6 =	simm.s32 $0x108;
	_ =	swait.ge @!p0 [sflag:s8], $0x0  }
0x24: {  	s3 =	sadd.s32 $0x88, s3;
	s6 =	simm.s32 @!p1 $0x1082;
	[sflag:s4] =	ssyncset.s32 $0xFFFFF086  }
0x25: {  	[simem:s6], [sflag:s4] =	dma.local [hbm:s3], $0xF7A  }
0x26: {  	[smem:$0x3F9E] =	sst s1;
	(tag) =	ssettag s2;
	_ =	strace s9  }
0x27: {  	s1 =	sld [smem:$0x3FAE]  }
0x28: {  	s2 =	sld [smem:$0x3FAF]  }
0x29: {  	s4 =	sld [smem:$0x3FB1]  }
0x2a: {  	p0 =	seq.s32 s5, $0x0;
	s5 =	sld [smem:$0x3FB2]  }
0x2b: {  	s6 =	sld [smem:$0x3FB3]  }
0x2c: {  	s7 =	sld [smem:$0x3FB4]  }
0x2d: {  	s3 =	simm.s32 $0x108;
	s8 =	sld [smem:$0x3FB5]  }
0x2e: {  	s3 =	simm.s32 @!p0 $0x1082;
	s9 =	sld [smem:$0x3FB6]  }
0x2f: {  	lr =	sadd.s32 s0, s3;
	s0 =	sld [smem:$0x3FAD]  }
0x30: {  	s3 =	sld [smem:$0x3FB0]  }
0x31: {  	[smem:$0x3FB9] =	sst s10  }
0x32: {  	s10 =	sld [smem:$0x3FB7];
	_ =	sdelay $0x3  }
0x33: {  	p0 =	seq.s32 s10, $0x1;
	s10 =	sld [smem:$0x3FB9];
	_ =	sdelay $0x3  }
0x34: {  	[smem:$0x3FB9] =	sst s10  }
0x35: {  	s10 =	sld [smem:$0x3FB8];
	_ =	sdelay $0x3  }
0x36: {  	p1 =	seq.s32 s10, $0x1;
	s10 =	sld [smem:$0x3FB9];
	_ =	sdelay $0x3  }
0x37: {  	[smem:$0x3FB9] =	sst s10  }
0x38: {  	s10 =	sld [smem:$0x3FBA]  }
0x39: {  	_ = 	snop;
	(pc) =	sbr.ind lr, $3  }
0x3a: {  	_ = 	snop  }
0x3b: {  	_ = 	snop  }
0x3c: {  	p2 =	seq.s32 s10, $0x1;
	s10 =	sld [smem:$0x3FB9]  }
0x3d: {  	_ =	shalt  }
0x3e: {  	_ =	shalt  }
0x3f: {  	_ =	shalt  }
0x40: {  	_ =	shalt  }
0x41: {  	_ =	shalt  }
0x42: {  	_ =	shalt  }
0x43: {  	_ =	shalt  }
0x44: {  	_ =	shalt  }
0x45: {  	_ =	shalt  }
0x46: {  	_ =	shalt  }
0x47: {  	_ =	shalt  }
0x48: {  	_ =	shalt  }
0x49: {  	_ =	shalt  }
0x4a: {  	_ =	shalt  }
0x4b: {  	_ =	shalt  }
0x4c: {  	_ =	shalt  }
0x4d: {  	_ =	shalt  }
0x4e: {  	_ =	shalt  }
0x4f: {  	_ =	shalt  }
0x50: {  	_ =	shalt  }
0x51: {  	_ =	shalt  }
0x52: {  	_ =	shalt  }
0x53: {  	_ =	shalt  }
0x54: {  	_ =	shalt  }
0x55: {  	_ =	shalt  }
0x56: {  	_ =	shalt  }
0x57: {  	_ =	shalt  }
0x58: {  	_ =	shalt  }
0x59: {  	_ =	shalt  }
0x5a: {  	_ =	shalt  }
0x5b: {  	_ =	shalt  }
0x5c: {  	_ =	shalt  }
0x5d: {  	_ =	shalt  }
0x5e: {  	_ =	shalt  }
0x5f: {  	_ =	shalt  }
0x60: {  	_ =	shalt  }
0x61: {  	_ =	shalt  }
0x62: {  	_ =	shalt  }
0x63: {  	_ =	shalt  }
0x64: {  	_ =	shalt  }
0x65: {  	_ =	shalt  }
0x66: {  	_ =	shalt  }
0x67: {  	_ =	shalt  }
0x68: {  	_ =	shalt  }
0x69: {  	_ =	shalt  }
0x6a: {  	_ =	shalt  }
0x6b: {  	_ =	shalt  }
0x6c: {  	_ =	shalt  }
0x6d: {  	_ =	shalt  }
0x6e: {  	_ =	shalt  }
0x6f: {  	_ =	shalt  }
0x70: {  	_ =	shalt  }
0x71: {  	_ =	shalt  }
0x72: {  	_ =	shalt  }
0x73: {  	_ =	shalt  }
0x74: {  	_ =	shalt  }
0x75: {  	_ =	shalt  }
0x76: {  	_ =	shalt  }
0x77: {  	_ =	shalt  }
0x78: {  	_ =	shalt  }
0x79: {  	_ =	shalt  }
0x7a: {  	_ =	shalt  }
0x7b: {  	_ =	shalt  }
0x7c: {  	_ =	shalt  }
0x7d: {  	_ =	shalt  }
0x7e: {  	_ =	shalt  }
0x7f: {  	_ =	shalt  }
0x80: {  	_ =	shalt  }
0x81: {  	_ =	shalt  }
0x82: {  	_ =	shalt  }
0x83: {  	_ =	shalt  }
0x84: {  	_ =	shalt  }
0x85: {  	_ =	shalt  }
0x86: {  	_ =	shalt  }
0x87: {  	_ =	shalt  }
.Lfunc_end0:
.L_simem_size_0:
called_computation_lowered:
.L_overlay_start_0:
0x88: {  	s0 =	sld [smem:$0x3FD9]  }
0x89: {  	s1 =	sld [smem:$0x3FFE];
	_ =	sdelay $0x3  }
0x8a: {  	s0 =	sadd.s32 s1, s0  }
0x8b: {  	[smem:$0x3FC5] =	sst s0  }
0x8c: {  	_ = 	snop  }
0x8d: {  	s0 =	sld [smem:$0x3FC8]  }
0x8e: {  	s16 =	sld [smem:$0x3FC7]  }
0x8f: {  	s2 =	sld [smem:$0x3FD0];
	(tm) =	ssettm $0x1  }
0x90: {  	s3 =	sld [smem:$0x3FFB];
	_ =	sdelay $0x3  }
0x91: {  	_ =	strace s3  }
0x92: {  	s3 =	sld [smem:$0x3FFC];
	_ =	sdelay $0x3  }
0x93: {  	_ =	strace s3  }
0x94: {  	s3 =	sld [smem:$0x3FFD];
	_ =	sdelay $0x3  }
0x95: {  	_ =	strace s3  }
0x96: {  	_ =	strace $0x8FFFFFFF  }
0x97: {  	s17 =	sld [smem:$0x3FDB];
	_ =	sdelay $0x1  }
0x98: {  	s4 =	simm.s32 $_scs_section_size  }
0x99: {  	s5 =	simm.s32 $_size__tile_overlayer_lowered;
	s6 =	simm.s32 $_tile_overlayer_lowered  }
0x9a: {  	s20 =	simm.s32 $0x1BFF;
	s19 =	sshll.u32 s6, $0x1;
	s3 =	sadd.s32 s4, s17  }
0x9b: {  	s7 =	simm.s32 $0x0;
	s18 =	sshll.u32 s5, $0x1;
	s5 =	sadd.s32 s19, s3  }
0x9c: {  	[timem:s7], [sflag:s20] =	dma.local [hbm:s5], s18  }
0x9d: {  	_ =	swait.ge [sflag:s20], s18  }
0x9e: {  	s4 =	ssub.s32 $0x0, s18;
	[sflag:s20] =	ssyncset.done $0x0  }
0x9f: {  	[sflag:s20] =	ssyncadd.s32 s4;
	_ =	sdelay $0x1  }
0xa0: {  	s21 =	simm.s32 $0x1B8B  }
0xa1: {  	_ =	swait.ge [sflag:s21], $0x1  }
0xa2: {  	[sflag:s21] =	ssyncset.done $0x0  }
0xa3: {  	s23 =	simm.s32 $0x1B8E;
	s22 =	sld [smem:$0x3FFE];
	[sflag:s21] =	ssyncadd.s32 $0xFFFFFFFF  }
0xa4: {  	s24 =	simm.s32 $execute0_lowered;
	[smem:$0x3FD2] =	sst s23  }
0xa5: {  	s5 =	sshll.u32 s24, $0x1;
	_ =	strace $0x80000046;
	[dreg:$0x1] =	wrdreg $0xFFFFFFFF  }
0xa6: {  	s25 =	simm.s32 $_size_execute0_lowered;
	s3 =	sadd.s32 s3, s5;
	[dreg:$0x0] =	wrdreg $0x0  }
0xa7: {  	s5 =	sshll.u32 s25, $0x1;
	[dreg:$0x2] =	wrdreg s3  }
0xa8: {  	[dreg:$0x3] =	wrdreg s5  }
0xa9: {  	[dreg:$0x4] =	wrdreg $0xC0  }
0xaa: {  	_ =	task [dreg:s7], $0x5FFFF  }
0xab: {  	[dreg:$0x1] =	wrdreg $0xFFFFFFFF  }
0xac: {  	[dreg:$0x0] =	wrdreg $0x60  }
0xad: {  	[dreg:$0x2] =	wrdreg s22  }
0xae: {  	[dreg:$0x3] =	wrdreg s0  }
0xaf: {  	[dreg:$0x4] =	wrdreg s16  }
0xb0: {  	[dreg:$0x5] =	wrdreg s2  }
0xb1: {  	[dreg:$0x6] =	wrdreg $0x7000  }
0xb2: {  	[dreg:$0x7] =	wrdreg $0x9  }
0xb3: {  	_ =	task.clear_ibuf [dreg:s7], $0x8FFFF;
	_ =	strace $0x90000046  }
0xb4: {  	s26 =	simm.s32 $0x9;
	_ =	strace $0x80000048  }
0xb5: {  	_ =	swait.ge [sflag:s26], $0x1  }
0xb6: {  	[sflag:s26] =	ssyncadd.s32 $0xFFFFFFFF  }
0xb7: {  	_ =	strace $0x90000048  }
0xb8: {  	_ =	sfence  }
0xb9: {  	s28 =	sld [smem:$0x0];
	_ =	sdelay $0x1  }
0xba: {  	s29 =	srdreg.scid  }
0xbb: {  	s30 =	sshll.u32 s29, $0xD;
	s31 =	sshrl.u32 s29, $0x2  }
0xbc: {  	s1 =	sand.u32 $0x1, s29;
	s2 =	sand.u32 $0x4000, s30;
	s0 =	sadd.s32 s31, s28  }
0xbd: {  	s1 =	sor.u32 s2, s1;
	s0 =	sshll.u32 s0, $0x11  }
0xbe: {  	s0 =	sor.u32 s0, s1  }
0xbf: {  	s0 =	sadd.s32 $0x8F2B, s0  }
0xc0: {  	[sflag:s0] =	ssyncadd.remote.s32 $0x1  }
0xc1: {  	_ =	sfence.sel $0xFFFF  }
0xc2: {  	[dreg:$0x0] =	wrdreg $0xFFFFFFFF;
	(pc) =	sbr.abs _section_cstart, $3  }
0xc3: {  	[dreg:$0x1] =	wrdreg $0xFFFFFFFF  }
0xc4: {  	_ =	task.clear_ibuf [dreg:s7], $0x2FFFF;
	_ =	strace $0x9FFFFFFF  }
0xc5: {  	(tm) =	ssettm $0x7FFFFFFF  }
tec
execute0_lowered:
.L_overlay_start_1:
0x0: {  	(tag) =	ssettag $0x1  }
0x1: {  	s3 =	rddreg [dreg:$0x0]  }
0x2: {  	s4 =	rddreg [dreg:$0x1]  }
0x3: {  	s7 =	rddreg [dreg:$0x2]  }
0x4: {  	s1 =	rddreg [dreg:$0x3]  }
0x5: {  	s2 =	rddreg [dreg:$0x4];
	s5 =	simm.s32 $0x0  }
0x6: {  	[smem:$0x7FF] =	sst s5  }
0x7: {  	s0 =	rddreg [dreg:$0x5];
	v0 =	vimm.s32 $0x2;
	s16 =	simm.s32 $0x3;
	_ =	strace $0x80000047  }
0x8: {  	[tilespmem:s5], [sflag:$0x3] =	stream.linear.gather [hbm4b:s3+s5], $0x3, $0x38;
	[tilespmem:$0xF80] =	vst v63  }
0x9: {  	_ =	swait.ge [sflag:s16], $0x3  }
0xa: {  	[sflag:s16] =	ssyncset.done $0x0  }
0xb: {  	[sflag:s16] =	ssyncadd.s32 $0xFFFFFFFD  }
0xc: {  	v0 =	vld.idx.msk [tilespmem:v0+s5+$0x0], $0xffff;
	_ =	sdelay $0x4  }
0xd: {  	v0 =	vxor.u32 $0x80000000, v0  }
0xe: {  	(xrf0) =	vmax.scan.msk.u32 $0xffff, v0;
	_ =	sdelay $0x5  }
0xf: {  	v0, _, _ =	vpop (xrf0)  }
0x10: {  	(v2sf) =	vpush v0, $0xF;
	_ =	sdelay $0x1  }
0x11: {  	v37 =	vimm.s32 $0x1;
	vm0 =	vcmask $0x704  }
0x12: {  	v0 =	vsel vm0, $0x0, v37;
	_ =	sdelay $0x4  }
0x13: {  	v1 =	vlaneseq.u32;
	v0 =	vld.idx.msk [tilespmem:v0+s5+$0x0], $0xffff;
	_ =	sdelay $0x3  }
0x14: {  	s8 =	simm.s32 $0x80  }
0x15: {  	s9 =	simm.s32 $0x2;
	s17 =	simm.s32 $0x100;
	[tilespmem:v1+s8+$0x0] =	vst.idx.msk $0x3, v0  }
0x16: {  	[tilespmem:s17], [sflag:$0x1] =	stream.indirect.gather [hbm4b:s4+s9], $0x80, s8, s9, $0xb8;
	[tilespmem:$0xF80] =	vst v63  }
0x17: {  	s6 =	spop (v2sf)  }
0x18: {  	s18 =	stileid.u32;
	s10 =	sshll.u32 s6, $0xE  }
0x19: {  	s11 =	sshll.u32 s18, $0xD;
	s6 =	sshll.u32 s6, $0x7;
	s10 =	sand.u32 $0xFFFE0000, s10  }
0x1a: {  	s6 =	sand.u32 $0x380, s6;
	s10 =	sor.u32 s11, s10  }
0x1b: {  	s10 =	sor.u32 s6, s10  }
0x1c: {  	s20 =	simm.s32 $0x400;
	s19 =	sshll.u32 s18, $0x3;
	s10 =	sshrl.u32 s10, $0x3  }
0x1d: {  	s21 =	simm.s32 $0x200;
	s22 =	simm.s32 $0x1;
	v38 =	vmov s19;
	s7 =	sadd.s32 s7, s10  }
0x1e: {  	v0 =	vor.u32 $0x80, v38;
	[tilespmem:s21], [sflag:$0x2] =	stream.strided.gather [hbm4b:s7+s8], $0x400, s20, s8, $0x38;
	[tilespmem:$0xF80] =	vst v63  }
0x1f: {  	v0 =	vbroadcast v0, $0x0;
	_ =	swait.ge [sflag:s22], $0x100  }
0x20: {  	[sflag:s22] =	ssyncset.done $0x0  }
0x21: {  	[sflag:s22] =	ssyncadd.s32 $0xFFFFFF00  }
0x22: {  	_ =	swait.ge [sflag:s9], $0x400  }
0x23: {  	[sflag:s9] =	ssyncset.done $0x0  }
0x24: {  	[sflag:s9] =	ssyncadd.s32 $0xFFFFFC00  }
0x25: {  	v9 =	vld.idx.msk [tilespmem:v0+s17+$0x0], $0xffff  }
0x26: {  	v7 =	vld [tilespmem:$0x100]  }
0x27: {  	v6 =	vld [tilespmem:$0x110]  }
0x28: {  	v8 =	vld [tilespmem:$0x200]  }
0x29: {  	v10 =	vld [tilespmem:$0x210]  }
0x2a: {  	v5 =	vld [tilespmem:$0x120]  }
0x2b: {  	v4 =	vld [tilespmem:$0x130]  }
0x2c: {  	v11 =	vld [tilespmem:$0x220]  }
0x2d: {  	v12 =	vld [tilespmem:$0x230]  }
0x2e: {  	v3 =	vld [tilespmem:$0x140]  }
0x2f: {  	v2 =	vld [tilespmem:$0x150]  }
0x30: {  	v14 =	vld [tilespmem:$0x240]  }
0x31: {  	v15 =	vld [tilespmem:$0x250]  }
0x32: {  	v1 =	vld [tilespmem:$0x160]  }
0x33: {  	v16 =	vld [tilespmem:$0x260]  }
0x34: {  	v17 =	vld [tilespmem:$0x270]  }
0x35: {  	v19 =	vld [tilespmem:$0x280]  }
0x36: {  	v20 =	vld [tilespmem:$0x290]  }
0x37: {  	v21 =	vld [tilespmem:$0x2A0]  }
0x38: {  	v22 =	vld [tilespmem:$0x2B0]  }
0x39: {  	v23 =	vld [tilespmem:$0x2C0]  }
0x3a: {  	v24 =	vld [tilespmem:$0x2D0]  }
0x3b: {  	v25 =	vld [tilespmem:$0x2E0]  }
0x3c: {  	v26 =	vld [tilespmem:$0x2F0]  }
0x3d: {  	v28 =	vld [tilespmem:$0x300]  }
0x3e: {  	v29 =	vld [tilespmem:$0x310]  }
0x3f: {  	s24 =	sor.u32 $0x2, s19;
	s25 =	sor.u32 $0x3, s19;
	v30 =	vld [tilespmem:$0x320]  }
0x40: {  	s23 =	sor.u32 $0x1, s19;
	v18 =	vmov s24;
	v27 =	vmov s25;
	v31 =	vld [tilespmem:$0x330]  }
0x41: {  	v39 =	vmov s23;
	v18 =	vor.u32 $0x80, v18;
	v27 =	vor.u32 $0x80, v27;
	v32 =	vld [tilespmem:$0x340]  }
0x42: {  	v18 =	vbroadcast v18, $0x0;
	v27 =	vbroadcast v27, $0x0;
	v0 =	vor.u32 $0x80, v39;
	v41 =	vld [tilespmem:$0x350]  }
0x43: {  	v33 =	vld [tilespmem:$0x360];
	v13 =	vbroadcast v0, $0x0;
	v8 =	vmul.f32 v8, v7  }
0x44: {  	v45 =	vld [tilespmem:$0x380];
	v10 =	vmul.f32 v10, v6;
	v19 =	vmul.f32 v19, v7  }
0x45: {  	v47 =	vld [tilespmem:$0x390];
	v40 =	vmul.f32 v11, v5;
	v20 =	vmul.f32 v20, v6  }
0x46: {  	v50 =	vld [tilespmem:$0x3A0];
	v42 =	vmul.f32 v12, v4;
	v21 =	vmul.f32 v21, v5  }
0x47: {  	v52 =	vld [tilespmem:$0x3B0];
	v44 =	vmul.f32 v14, v3;
	v46 =	vmul.f32 v22, v4  }
0x48: {  	v55 =	vld [tilespmem:$0x3C0];
	v48 =	vmul.f32 v15, v2;
	v49 =	vmul.f32 v28, v7  }
0x49: {  	v57 =	vld [tilespmem:$0x3D0];
	v51 =	vmul.f32 v23, v3;
	v54 =	vmul.f32 v29, v6  }
0x4a: {  	v59 =	vld [tilespmem:$0x3E0];
	v16 =	vmul.f32 v16, v1;
	v56 =	vmul.f32 v24, v2  }
0x4b: {  	v34 =	vld [tilespmem:$0x420];
	v58 =	vmul.f32 v30, v5;
	v60 =	vmul.f32 v25, v1  }
0x4c: {  	v37 =	vld [tilespmem:$0x440];
	v61 =	vmul.f32 v31, v4;
	v14 =	vmul.f32 v45, v7  }
0x4d: {  	v0 =	vld [tilespmem:$0x170];
	v63 =	vmul.f32 v32, v3;
	v22 =	vmul.f32 v47, v6  }
0x4e: {  	v62 =	vld [tilespmem:$0x400];
	v11 =	vmul.f32 v41, v2;
	v36 =	vmul.f32 v50, v5  }
0x4f: {  	s26 =	sor.u32 $0x4, s19;
	v35 =	vld [tilespmem:$0x430];
	v38 =	vmul.f32 v33, v1;
	v45 =	vmul.f32 v55, v3  }
0x50: {  	s28 =	sor.u32 $0x5, s19;
	v43 =	vmov s26;
	v39 =	vld [tilespmem:$0x450];
	v47 =	vmul.f32 v34, v5;
	v50 =	vmul.f32 v57, v2  }
0x51: {  	v12 =	vld [tilespmem:$0x370];
	v57 =	vmul.f32 v37, v3;
	v29 =	vmov s28;
	v8 =	vadd.f32 $0.0e+00, v8  }
0x52: {  	v31 =	vld [tilespmem:$0x410];
	v17 =	vmul.f32 v17, v0;
	v19 =	vadd.f32 $0.0e+00, v19;
	v53 =	vadd.f32 $0.0e+00, v49  }
0x53: {  	v41 =	vld [tilespmem:$0x460];
	v32 =	vmul.f32 v26, v0;
	v14 =	vadd.f32 $0.0e+00, v14;
	v8 =	vadd.f32 v10, v8  }
0x54: {  	v28 =	vld [tilespmem:$0x510];
	v19 =	vadd.f32 v20, v19;
	v20 =	vor.u32 $0x80, v43;
	v10 =	vadd.f32 v54, v53  }
0x55: {  	v14 =	vadd.f32 v22, v14;
	v53 =	vld [tilespmem:$0x4B0];
	v54 =	vmul.f32 v59, v1;
	v8 =	vadd.f32 v40, v8  }
0x56: {  	v20 =	vbroadcast v20, $0x0;
	v19 =	vadd.f32 v21, v19;
	v21 =	vld [tilespmem:$0x3F0];
	v10 =	vadd.f32 v58, v10  }
0x57: {  	v14 =	vadd.f32 v36, v14;
	v40 =	vmul.f32 v52, v4;
	v36 =	vld [tilespmem:$0x530];
	v8 =	vadd.f32 v42, v8  }
0x58: {  	v43 =	vmul.f32 v31, v6;
	v19 =	vadd.f32 v46, v19;
	v10 =	vadd.f32 v61, v10;
	v61 =	vld [tilespmem:$0x500]  }
0x59: {  	s6 =	sor.u32 $0x6, s19;
	v12 =	vmul.f32 v12, v0;
	v52 =	vmul.f32 v35, v4;
	v14 =	vadd.f32 v40, v14;
	v46 =	vld [tilespmem:$0x470]  }
0x5a: {  	v40 =	vmov s6;
	v8 =	vadd.f32 v44, v8;
	v19 =	vadd.f32 v51, v19;
	v44 =	vld [tilespmem:$0x480]  }
0x5b: {  	v31 =	vmul.f32 v53, v4;
	v10 =	vadd.f32 v63, v10;
	v49 =	vadd.f32 v45, v14;
	v51 =	vld [tilespmem:$0x4A0]  }
0x5c: {  	v30 =	vld [tilespmem:$0x580];
	v21 =	vmul.f32 v21, v0;
	v14 =	vmul.f32 v36, v4;
	v8 =	vadd.f32 v48, v8  }
0x5d: {  	s29 =	sshllo.u32 s18, $0x3;
	v13 =	vld.idx.msk [tilespmem:v13+s17+$0x0], $0xffff;
	v19 =	vadd.f32 v56, v19;
	v10 =	vadd.f32 v11, v10;
	v33 =	vmul.f32 v61, v7  }
0x5e: {  	v48 =	vld [tilespmem:$0x490];
	v35 =	vmul.f32 v46, v0;
	v46 =	vmov s29;
	v16 =	vadd.f32 v16, v8  }
0x5f: {  	v56 =	vld [tilespmem:$0x4C0];
	v15 =	vadd.f32 v60, v19;
	v10 =	vadd.f32 v38, v10;
	v19 =	vmul.f32 v41, v1  }
0x60: {  	v63 =	vld [tilespmem:$0x4E0];
	v55 =	vmul.f32 v44, v7;
	v26 =	vmul.f32 v51, v5;
	v16 =	vadd.f32 v17, v16  }
0x61: {  	v34 =	vld [tilespmem:$0x590];
	v15 =	vadd.f32 v32, v15;
	v17 =	vmul.f32 v62, v7;
	v62 =	vmul.f32 v39, v2  }
0x62: {  	v18 =	vld.idx.msk [tilespmem:v18+s17+$0x0], $0xffff;
	v10 =	vadd.f32 v12, v10;
	v7 =	vmul.f32 v30, v7;
	v9 =	vmul.f32 v16, v9  }
0x63: {  	v58 =	vld [tilespmem:$0x4D0];
	v59 =	vadd.f32 $0.0e+00, v55;
	v60 =	vmul.f32 v48, v6;
	v42 =	vadd.f32 $0.0e+00, v17  }
0x64: {  	v8 =	vld.idx.msk [tilespmem:v20+s17+$0x0], $0xffff;
	v20 =	vmul.f32 v56, v3;
	v13 =	vmul.f32 v15, v13;
	v9 =	vadd.f32 $0.0e+00, v9  }
0x65: {  	v37 =	vld [tilespmem:$0x5A0];
	v48 =	vmul.f32 v63, v1;
	v15 =	vmul.f32 v28, v6;
	v11 =	vadd.f32 v43, v42  }
0x66: {  	v41 =	vld [tilespmem:$0x5B0];
	v7 =	vadd.f32 $0.0e+00, v7;
	v6 =	vmul.f32 v34, v6;
	v9 =	vadd.f32 v13, v9  }
0x67: {  	v38 =	vld [tilespmem:$0x4F0];
	v10 =	vmul.f32 v10, v18;
	v11 =	vadd.f32 v47, v11;
	v13 =	vadd.f32 v50, v49  }
0x68: {  	v32 =	vld [tilespmem:$0x520];
	v17 =	vor.u32 $0x80, v29;
	v25 =	vadd.f32 v60, v59;
	v6 =	vadd.f32 v6, v7  }
0x69: {  	v18 =	vmul.f32 v58, v2;
	v11 =	vadd.f32 v52, v11;
	v13 =	vadd.f32 v54, v13  }
0x6a: {  	v27 =	vld.idx.msk [tilespmem:v27+s17+$0x0], $0xffff;
	v17 =	vbroadcast v17, $0x0;
	v9 =	vadd.f32 v10, v9;
	v10 =	vadd.f32 v26, v25  }
0x6b: {  	v4 =	vmul.f32 v41, v4;
	v49 =	vld [tilespmem:$0x570];
	v13 =	vadd.f32 v21, v13;
	v21 =	vadd.f32 $0.0e+00, v33  }
0x6c: {  	v39 =	vld [tilespmem:$0x540];
	v12 =	vmul.f32 v38, v0;
	v11 =	vadd.f32 v57, v11;
	v10 =	vadd.f32 v31, v10  }
0x6d: {  	v44 =	vld [tilespmem:$0x5C0];
	v16 =	vmul.f32 v32, v5;
	v5 =	vmul.f32 v37, v5;
	v15 =	vadd.f32 v15, v21  }
0x6e: {  	v42 =	vld [tilespmem:$0x550];
	v43 =	vor.u32 $0x80, v40;
	v11 =	vadd.f32 v62, v11;
	v10 =	vadd.f32 v20, v10  }
0x6f: {  	v7 =	vbroadcast v43, $0x0;
	v47 =	vld [tilespmem:$0x5D0];
	v5 =	vadd.f32 v5, v6;
	v15 =	vadd.f32 v16, v15  }
0x70: {  	v45 =	vld [tilespmem:$0x560];
	v56 =	vmul.f32 v49, v0;
	v11 =	vadd.f32 v19, v11;
	v10 =	vadd.f32 v18, v10  }
0x71: {  	v19 =	vmul.f32 v39, v3;
	v18 =	vor.u32 $0x80, v46;
	v14 =	vadd.f32 v14, v15  }
0x72: {  	v50 =	vld [tilespmem:$0x5E0];
	v4 =	vadd.f32 v4, v5;
	v13 =	vmul.f32 v13, v27;
	v18 =	vbroadcast v18, $0x0  }
0x73: {  	v52 =	vld [tilespmem:$0x5F0];
	v16 =	vmul.f32 v42, v2;
	v3 =	vmul.f32 v44, v3;
	v14 =	vadd.f32 v19, v14  }
0x74: {  	v51 =	vld.idx.msk [tilespmem:v17+s17+$0x0], $0xffff;
	v2 =	vmul.f32 v47, v2;
	v11 =	vadd.f32 v35, v11;
	v10 =	vadd.f32 v48, v10  }
0x75: {  	v15 =	vmul.f32 v45, v1;
	v3 =	vadd.f32 v3, v4;
	v14 =	vadd.f32 v16, v14  }
0x76: {  	v7 =	vld.idx.msk [tilespmem:v7+s17+$0x0], $0xffff;
	v9 =	vadd.f32 v13, v9;
	v53 =	vmul.f32 v11, v8;
	v54 =	vadd.f32 v12, v10  }
0x77: {  	v1 =	vmul.f32 v50, v1;
	v2 =	vadd.f32 v2, v3;
	v55 =	vadd.f32 v15, v14  }
0x78: {  	v0 =	vmul.f32 v52, v0;
	v57 =	vadd.f32 v53, v9;
	v59 =	vld.idx.msk [tilespmem:v18+s17+$0x0], $0xffff  }
0x79: {  	v58 =	vmul.f32 v54, v51;
	v1 =	vadd.f32 v1, v2;
	v60 =	vadd.f32 v56, v55;
	_ =	sdelay $0x1  }
0x7a: {  	v61 =	vadd.f32 v58, v57;
	v0 =	vadd.f32 v0, v1;
	v62 =	vmul.f32 v60, v7;
	_ =	sdelay $0x1  }
0x7b: {  	v0 =	vmul.f32 v0, v59;
	v63 =	vadd.f32 v62, v61;
	_ =	sdelay $0x1  }
0x7c: {  	v0 =	vadd.f32 v0, v63  }
0x7d: {  	s30 =	sshll.u32 s18, $0x7  }
0x7e: {  	s31 =	simm.s32 $0x600;
	s5 =	sadd.s32 s30, s2;
	[tilespmem:$0x600] =	vst v0  }
0x7f: {  	[spmem:s5] =	stream.linear.scatter [tilespmem:s31], [sflag:$0x3], $0x10, $0x38;
	[tilespmem:$0xF80] =	vst v63  }
0x80: {  	_ =	swait.ge [sflag:s16], $0x10  }
0x81: {  	[sflag:s16] =	ssyncset.done $0x0  }
0x82: {  	[sflag:s16] =	ssyncadd.s32 $0xFFFFFFF0  }
0x83: {  	p0 =	sne.s32 s18, $0x0;
	[bflag:$0x0] =	sbarrier.arrive $0xFFFF  }
0x84: {  	_ =	sfence.sel @p0 $0x180000  }
0x85: {  	[bflag:$0x0] =	sbarrier.arrive @p0 $0xFFFF  }
0x86: {  	_ =	strace @p0 $0x90000047  }
0x87: {  	s3 =	simm.s32 @!p0 $0x780;
	[bflag:$0x2] =	sbarrier.arrive @p0 $0xFFFF  }
0x88: {  	[tilespmem:s3], [sflag:$0x3] =	stream.linear.gather @!p0 [spmem:s2], $0x800, $0x38;
	[tilespmem:$0xF80] =	vst v63  }
0x89: {  	s2 =	simm.s32 @!p0 $0x3  }
0x8a: {  	_ =	swait.ge @!p0 [sflag:s2], $0x800  }
0x8b: {  	[sflag:s2] =	ssyncset.done @!p0 $0x0  }
0x8c: {  	[sflag:s2] =	ssyncadd.s32 @!p0 $0xFFFFF800  }
0x8d: {  	v0 =	vld @!p0 [tilespmem:$0x780]  }
0x8e: {  	v1 =	vld @!p0 [tilespmem:$0x800];
	_ =	sdelay $0x1  }
0x8f: {  	v2 =	vld @!p0 [tilespmem:$0x880];
	_ =	sdelay $0x1  }
0x90: {  	v3 =	vld @!p0 [tilespmem:$0x900]  }
0x91: {  	v0 =	vadd.f32 @!p0 v1, v0  }
0x92: {  	v1 =	vld @!p0 [tilespmem:$0x980]  }
0x93: {  	v0 =	vadd.f32 @!p0 v2, v0  }
0x94: {  	v2 =	vld @!p0 [tilespmem:$0xA00]  }
0x95: {  	v0 =	vadd.f32 @!p0 v3, v0  }
0x96: {  	v3 =	vld @!p0 [tilespmem:$0xA80]  }
0x97: {  	v0 =	vadd.f32 @!p0 v1, v0  }
0x98: {  	v1 =	vld @!p0 [tilespmem:$0xB00]  }
0x99: {  	v0 =	vadd.f32 @!p0 v2, v0  }
0x9a: {  	v2 =	vld @!p0 [tilespmem:$0xB80]  }
0x9b: {  	v0 =	vadd.f32 @!p0 v3, v0  }
0x9c: {  	v3 =	vld @!p0 [tilespmem:$0xC00]  }
0x9d: {  	v0 =	vadd.f32 @!p0 v1, v0  }
0x9e: {  	v1 =	vld @!p0 [tilespmem:$0xC80]  }
0x9f: {  	v0 =	vadd.f32 @!p0 v2, v0  }
0xa0: {  	v2 =	vld @!p0 [tilespmem:$0xD00]  }
0xa1: {  	v0 =	vadd.f32 @!p0 v3, v0  }
0xa2: {  	v3 =	vld @!p0 [tilespmem:$0xD80]  }
0xa3: {  	v0 =	vadd.f32 @!p0 v1, v0  }
0xa4: {  	v1 =	vld @!p0 [tilespmem:$0xE00]  }
0xa5: {  	v0 =	vadd.f32 @!p0 v2, v0  }
0xa6: {  	v2 =	vld @!p0 [tilespmem:$0xE80]  }
0xa7: {  	v0 =	vadd.f32 @!p0 v3, v0  }
0xa8: {  	v3 =	vld @!p0 [tilespmem:$0xF00]  }
0xa9: {  	v0 =	vadd.f32 @!p0 v1, v0;
	_ =	sdelay $0x1  }
0xaa: {  	v0 =	vadd.f32 @!p0 v2, v0;
	_ =	sdelay $0x1  }
0xab: {  	v0 =	vadd.f32 @!p0 v3, v0;
	_ =	sdelay $0x1  }
0xac: {  	(xrf2) =	vadd.scan.msk.f32 @!p0 $0xffff, v0;
	_ =	sdelay $0x9  }
0xad: {  	v0, _, _ =	vpop @!p0 (xrf2)  }
0xae: {  	v0 =	vbroadcast @!p0 v0, $0xF;
	_ =	sdelay $0x1  }
0xaf: {  	s4 =	simm.s32 @!p0 $0x680;
	s3 =	simm.s32 @!p0 $0x0;
	[tilespmem:$0x680] =	vst @!p0 v0  }
0xb0: {  	[hbm4b:s1+s3] =	stream.linear.scatter @!p0 [tilespmem:s4], [sflag:$0x3], $0x1, $0x38;
	[tilespmem:$0xF80] =	vst v63  }
0xb1: {  	_ =	swait.ge @!p0 [sflag:s2], $0x1  }
0xb2: {  	[sflag:s2] =	ssyncset.done @!p0 $0x0  }
0xb3: {  	[sflag:s2] =	ssyncadd.s32 @!p0 $0xFFFFFFFF  }
0xb4: {  	_ =	sfence.sel @!p0 $0x180000  }
0xb5: {  	[bflag:$0x0] =	sbarrier.arrive @!p0 $0xFFFF  }
0xb6: {  	_ =	strace @!p0 $0x90000047  }
0xb7: {  	s0 =	sadd.s32 @!p0 $0x100000, s0;
	[bflag:$0x2] =	sbarrier.arrive @!p0 $0xFFFF  }
0xb8: {  	[sflag:s0] =	ssyncadd.tile.s32 @!p0 $0x1;
	_ =	shalt  }
.Lfunc_end2:
_tile_overlayer_lowered:
.L_overlay_start_2:
0xb9: {  	(tag) =	ssettag $0x2  }
0xba: {  	s0 =	rddreg [dreg:$0x0];
	s2 =	stileid.u32  }
0xbb: {  	s1 =	rddreg [dreg:$0x1];
	p0 =	sne.s32 s2, $0x0  }
0xbc: {  	s3 =	rddreg [dreg:$0x2];
	[bflag:$0x3] =	sbarrier.arrive $0xFFFF;
	s2 =	simm.s32 @!p0 $0x1C03  }
0xbd: {  	[timem:s3], [sflag:s2] =	dma.local @!p0 [hbm:s0], s1  }
0xbe: {  	s0 =	simm.s32 @!p0 $0x3  }
0xbf: {  	_ =	swait.ge @!p0 [sflag:s0], s1  }
0xc0: {  	s1 =	ssub.s32 @!p0 $0x0, s1;
	[sflag:s0] =	ssyncset.done @!p0 $0x0  }
0xc1: {  	[sflag:s0] =	ssyncadd.s32 @!p0 s1  }
0xc2: {  	[bflag:$0x3] =	sbarrier.arrive $0xFFFF  }
0xc3: {  	_ =	shalt  }

</sc_bundles>
